<compile_context>
chip_gen: v7x
topology: tpu7x:2x2x1
jax: 0.10.2.dev20260603
libtpu: 0.0.44.dev20260713+nightly
codegen_flags: <defaults>
</compile_context>

<pallas_src>
import functools

import jax
import jax.numpy as jnp
from jax import lax
from jax.experimental import pallas as pl
from jax.experimental.pallas import tpu as pltpu
from jax.experimental.pallas import tpu_sc as plsc

_NUM_BS = 256
_NUM_UE = 8
_EMB_DIM = 64
_BATCH = 16384
_PAIRS = _NUM_BS * _NUM_UE

_INFO = plsc.get_sparse_core_info()
_NC = _INFO.num_cores
_NS = _INFO.num_subcores
_L = _INFO.num_lanes
_NW = _NC * _NS
_BPW = _BATCH // _NW
_CHUNK = 128
_NCHUNK = _BPW // _CHUNK

_mesh = plsc.VectorSubcoreMesh(core_axis_name="c", subcore_axis_name="s")


@functools.partial(
    pl.kernel,
    out_type=jax.ShapeDtypeStruct((_EMB_DIM, _BATCH), jnp.float32),
    mesh=_mesh,
    scratch_types=[
        pltpu.VMEM((_BPW,), jnp.int32),
        pltpu.VMEM((_BPW,), jnp.int32),
        pltpu.VMEM((_NCHUNK, _CHUNK), jnp.int32),
        pltpu.VMEM((_BPW, _EMB_DIM), jnp.float32),
        pltpu.VMEM((_EMB_DIM, _BPW), jnp.float32),
        pltpu.SemaphoreType.DMA,
        pltpu.SemaphoreType.DMA((_NCHUNK,)),
        pltpu.SemaphoreType.DMA,
    ],
    compiler_params=pltpu.CompilerParams(use_tc_tiling_on_sc=False,
                                         needs_layout_passes=False),
)
def _gather_kernel(bs_hbm, ue_hbm, tab_hbm, out_hbm,
                   bs_v, ue_v, idx_v, rows_v, outt_v,
                   sem_in, sem_g, sem_o):
    wid = lax.axis_index("s") * _NC + lax.axis_index("c")
    base = wid * _BPW
    iota = lax.iota(jnp.int32, _L)
    cp_b = pltpu.async_copy(bs_hbm.at[pl.ds(base, _BPW)], bs_v, sem_in)
    cp_u = pltpu.async_copy(ue_hbm.at[pl.ds(base, _BPW)], ue_v, sem_in)
    cp_b.wait()
    cp_u.wait()
    gathers = []
    for j in range(_NCHUNK):
        for c in range(_CHUNK // _L):
            i = j * (_CHUNK // _L) + c
            b = bs_v[pl.ds(i * _L, _L)]
            u = ue_v[pl.ds(i * _L, _L)]
            idx_v[j, pl.ds(c * _L, _L)] = b * _NUM_UE + u
        gathers.append(
            pltpu.async_copy(tab_hbm.at[idx_v.at[j]],
                             rows_v.at[pl.ds(j * _CHUNK, _CHUNK)],
                             sem_g.at[j]))
    outs = []
    for j in range(_NCHUNK):
        gathers[j].wait()

        @plsc.parallel_loop(0, _CHUNK // _L, 1)
        def _blocks(blk, j=j):
            i0 = j * _CHUNK + blk * _L
            srow = i0 + iota
            colv = i0 + iota

            @plsc.parallel_loop(0, _L, 1, unroll=2)
            def _diag(d, srow=srow, colv=colv):
                diag = (iota + d) & (_L - 1)
                for c0 in range(0, _EMB_DIM, _L):
                    rc = c0 + diag
                    vals = plsc.load_gather(rows_v, [srow, rc])
                    plsc.store_scatter(outt_v, [rc, colv], vals)
        outs.append(
            pltpu.async_copy(
                outt_v.at[:, pl.ds(j * _CHUNK, _CHUNK)],
                out_hbm.at[:, pl.ds(base + j * _CHUNK, _CHUNK)],
                sem_o))
    for cp in outs:
        cp.wait()


def kernel(bs_antenna_indices, ue_antenna_indices, embeddings):
    depad = embeddings.reshape(_PAIRS // 2, 2 * _EMB_DIM)
    depad = lax.optimization_barrier(depad)
    flat_table = depad.reshape(_PAIRS, _EMB_DIM)
    out_t = _gather_kernel(bs_antenna_indices.astype(jnp.int32),
                           ue_antenna_indices.astype(jnp.int32),
                           flat_table)
    return out_t.T

# --- scband reference (transcript-rebuilt; emitter-appended) ---
"""Pipeline reference for scband-antenna-embedding-codebook-70420283785567 (READ-ONLY COPY).

The authoritative reference and input builder live on the scoring server;
editing this copy changes nothing except your own understanding.
"""

import jax, jax.numpy as jnp
import numpy as np

NUM_BS = 256
NUM_UE = 8
EMB_DIM = 64
BATCH = 16384
STD = 0.1

def setup_inputs(seed: int = 0) -> dict:
    key = jax.random.key(seed)
    k1, k2, k3 = jax.random.split(key, 3)
    bs_antenna_indices = jax.random.randint(k1, (BATCH,), 0, NUM_BS, dtype=jnp.int64 if jax.config.read('jax_enable_x64') else jnp.int32)
    ue_antenna_indices = jax.random.randint(k2, (BATCH,), 0, NUM_UE, dtype=jnp.int64 if jax.config.read('jax_enable_x64') else jnp.int32)
    embeddings = jax.random.normal(k3, (NUM_BS, NUM_UE, EMB_DIM), dtype=jnp.float32) * STD
    return {
        'bs_antenna_indices': bs_antenna_indices,
        'ue_antenna_indices': ue_antenna_indices,
        'embeddings': embeddings,
    }

def reference(bs_antenna_indices, ue_antenna_indices, embeddings):
    # Equivalent of torch: self.embeddings[bs_idx, ue_idx]
    # Flatten pair index for a single gather: pair = bs * NUM_UE + ue
    flat_table = embeddings.reshape(NUM_BS * NUM_UE, EMB_DIM)
    pair_idx = bs_antenna_indices * NUM_UE + ue_antenna_indices
    out = jnp.take(flat_table, pair_idx, axis=0)
    # normalize=False, so no F.normalize step
    return out

if __name__ == "__main__":
    import jax
    _d = setup_inputs()
    print(jax.jit(kernel)(*tuple(_d.values())))

</pallas_src>

<mosaic_0001>
#map = affine_map<(d0, d1) -> (0)>
#map1 = affine_map<(d0, d1) -> (0, 0)>
module attributes {stable_mosaic.version = 14 : i64} {
  func.func @_gather_kernel(%arg0: i32, %arg1: i32, %arg2: memref<16384xi32, #tpu.memory_space<hbm>>, %arg3: memref<16384xi32, #tpu.memory_space<hbm>>, %arg4: memref<2048x64xf32, #tpu.memory_space<hbm>>, %arg5: memref<64x16384xf32, #tpu.memory_space<hbm>>, %arg6: memref<512xi32, #tpu.memory_space<vmem>>, %arg7: memref<512xi32, #tpu.memory_space<vmem>>, %arg8: memref<4x128xi32, #tpu.memory_space<vmem>>, %arg9: memref<512x64xf32, #tpu.memory_space<vmem>>, %arg10: memref<64x512xf32, #tpu.memory_space<vmem>>, %arg11: memref<!tpu.dma_semaphore, #tpu.memory_space<semaphore_mem>>, %arg12: memref<4x!tpu.dma_semaphore, #tpu.memory_space<semaphore_mem>>, %arg13: memref<!tpu.dma_semaphore, #tpu.memory_space<semaphore_mem>>) attributes {dimension_semantics = [#tpu.dimension_semantics<core_parallel>, #tpu.dimension_semantics<subcore_parallel>], iteration_bounds = array<i64: 2, 16>, scalar_prefetch = 0 : i64, scratch_operands = 8 : i64, tpu.core_type = #tpu.core_type<sc_vector_subcore>, window_params = [{transform_indices = #map}, {transform_indices = #map}, {transform_indices = #map1}, {transform_indices = #map1}]} {
    %mul3A = arith.constant 2 : i32
    %mul3A_0 = arith.muli %arg1, %mul3A : i32
    %add3A = arith.addi %mul3A_0, %arg0 : i32
    %mul3A_1 = arith.constant 512 : i32
    %mul3A_2 = arith.muli %add3A, %mul3A_1 : i32
    %iota3A = tpu.iota {dimensions = array<i32: 0>} : vector<16xi32>
    %dma_start3A = tpu.memref_slice %arg2[%mul3A_2] : memref<16384xi32, #tpu.memory_space<hbm>> -> memref<512xi32, #tpu.memory_space<hbm>>
    %dma_start3A_3 = tpu.memref_slice %arg2[%mul3A_2] : memref<16384xi32, #tpu.memory_space<hbm>> -> memref<512xi32, #tpu.memory_space<hbm>>
    tpu.enqueue_dma source(%dma_start3A_3 : memref<512xi32, #tpu.memory_space<hbm>>) target(%arg6 : memref<512xi32, #tpu.memory_space<vmem>>) target_semaphore(%arg11 : memref<!tpu.dma_semaphore, #tpu.memory_space<semaphore_mem>>)
    %dma_start3A_4 = tpu.memref_slice %arg3[%mul3A_2] : memref<16384xi32, #tpu.memory_space<hbm>> -> memref<512xi32, #tpu.memory_space<hbm>>
    %dma_start3A_5 = tpu.memref_slice %arg3[%mul3A_2] : memref<16384xi32, #tpu.memory_space<hbm>> -> memref<512xi32, #tpu.memory_space<hbm>>
    tpu.enqueue_dma source(%dma_start3A_5 : memref<512xi32, #tpu.memory_space<hbm>>) target(%arg7 : memref<512xi32, #tpu.memory_space<vmem>>) target_semaphore(%arg11 : memref<!tpu.dma_semaphore, #tpu.memory_space<semaphore_mem>>)
    %dma_wait3A = tpu.memref_slice %arg2[%mul3A_2] : memref<16384xi32, #tpu.memory_space<hbm>> -> memref<512xi32, #tpu.memory_space<hbm>>
    %dma_wait3A_6 = tpu.memref_slice %arg2[%mul3A_2] : memref<16384xi32, #tpu.memory_space<hbm>> -> memref<512xi32, #tpu.memory_space<hbm>>
    tpu.wait_dma2 semaphore(%arg11 : memref<!tpu.dma_semaphore, #tpu.memory_space<semaphore_mem>>) src(%dma_wait3A_6 : memref<512xi32, #tpu.memory_space<hbm>>) dst(%arg6 : memref<512xi32, #tpu.memory_space<vmem>>)
    %dma_wait3A_7 = tpu.memref_slice %arg3[%mul3A_2] : memref<16384xi32, #tpu.memory_space<hbm>> -> memref<512xi32, #tpu.memory_space<hbm>>
    %dma_wait3A_8 = tpu.memref_slice %arg3[%mul3A_2] : memref<16384xi32, #tpu.memory_space<hbm>> -> memref<512xi32, #tpu.memory_space<hbm>>
    tpu.wait_dma2 semaphore(%arg11 : memref<!tpu.dma_semaphore, #tpu.memory_space<semaphore_mem>>) src(%dma_wait3A_8 : memref<512xi32, #tpu.memory_space<hbm>>) dst(%arg7 : memref<512xi32, #tpu.memory_space<vmem>>)
    %get3A = arith.constant 0 : index
    %get3A_9 = tpu.vector_load %arg6[%get3A] {strides = array<i32>} : memref<512xi32, #tpu.memory_space<vmem>>, vector<16xi32>,
    %get3A_10 = arith.constant 0 : index
    %get3A_11 = tpu.vector_load %arg7[%get3A_10] {strides = array<i32>} : memref<512xi32, #tpu.memory_space<vmem>>, vector<16xi32>,
    %mul3A_12 = arith.constant 8 : i32
    %mul3A_13 = vector.broadcast %mul3A_12 : i32 to vector<16xi32>
    %mul3A_14 = arith.muli %get3A_9, %mul3A_13 : vector<16xi32>
    %add3A_15 = arith.addi %mul3A_14, %get3A_11 : vector<16xi32>
    %swap3A = arith.constant 0 : i32
    %swap3A_16 = arith.index_cast %swap3A : i32 to index
    %swap3A_17 = arith.constant 0 : index
    %swap3A_18 = tpu.vector_load %arg8[%swap3A_16, %swap3A_17] {strides = array<i32>} : memref<4x128xi32, #tpu.memory_space<vmem>>, vector<16xi32>,
    tpu.vector_store %arg8[%swap3A_16, %swap3A_17], %add3A_15 {strides = array<i32>} : memref<4x128xi32, #tpu.memory_space<vmem>>, vector<16xi32>,
    %get3A_19 = arith.constant 16 : index
    %get3A_20 = tpu.vector_load %arg6[%get3A_19] {strides = array<i32>} : memref<512xi32, #tpu.memory_space<vmem>>, vector<16xi32>,
    %get3A_21 = arith.constant 16 : index
    %get3A_22 = tpu.vector_load %arg7[%get3A_21] {strides = array<i32>} : memref<512xi32, #tpu.memory_space<vmem>>, vector<16xi32>,
    %mul3A_23 = arith.constant 8 : i32
    %mul3A_24 = vector.broadcast %mul3A_23 : i32 to vector<16xi32>
    %mul3A_25 = arith.muli %get3A_20, %mul3A_24 : vector<16xi32>
    %add3A_26 = arith.addi %mul3A_25, %get3A_22 : vector<16xi32>
    %swap3A_27 = arith.constant 0 : i32
    %swap3A_28 = arith.index_cast %swap3A_27 : i32 to index
    %swap3A_29 = arith.constant 16 : index
    %swap3A_30 = tpu.vector_load %arg8[%swap3A_28, %swap3A_29] {strides = array<i32>} : memref<4x128xi32, #tpu.memory_space<vmem>>, vector<16xi32>,
    tpu.vector_store %arg8[%swap3A_28, %swap3A_29], %add3A_26 {strides = array<i32>} : memref<4x128xi32, #tpu.memory_space<vmem>>, vector<16xi32>,
    %get3A_31 = arith.constant 32 : index
    %get3A_32 = tpu.vector_load %arg6[%get3A_31] {strides = array<i32>} : memref<512xi32, #tpu.memory_space<vmem>>, vector<16xi32>,
    %get3A_33 = arith.constant 32 : index
    %get3A_34 = tpu.vector_load %arg7[%get3A_33] {strides = array<i32>} : memref<512xi32, #tpu.memory_space<vmem>>, vector<16xi32>,
    %mul3A_35 = arith.constant 8 : i32
    %mul3A_36 = vector.broadcast %mul3A_35 : i32 to vector<16xi32>
    %mul3A_37 = arith.muli %get3A_32, %mul3A_36 : vector<16xi32>
    %add3A_38 = arith.addi %mul3A_37, %get3A_34 : vector<16xi32>
    %swap3A_39 = arith.constant 0 : i32
    %swap3A_40 = arith.index_cast %swap3A_39 : i32 to index
    %swap3A_41 = arith.constant 32 : index
    %swap3A_42 = tpu.vector_load %arg8[%swap3A_40, %swap3A_41] {strides = array<i32>} : memref<4x128xi32, #tpu.memory_space<vmem>>, vector<16xi32>,
    tpu.vector_store %arg8[%swap3A_40, %swap3A_41], %add3A_38 {strides = array<i32>} : memref<4x128xi32, #tpu.memory_space<vmem>>, vector<16xi32>,
    %get3A_43 = arith.constant 48 : index
    %get3A_44 = tpu.vector_load %arg6[%get3A_43] {strides = array<i32>} : memref<512xi32, #tpu.memory_space<vmem>>, vector<16xi32>,
    %get3A_45 = arith.constant 48 : index
    %get3A_46 = tpu.vector_load %arg7[%get3A_45] {strides = array<i32>} : memref<512xi32, #tpu.memory_space<vmem>>, vector<16xi32>,
    %mul3A_47 = arith.constant 8 : i32
    %mul3A_48 = vector.broadcast %mul3A_47 : i32 to vector<16xi32>
    %mul3A_49 = arith.muli %get3A_44, %mul3A_48 : vector<16xi32>
    %add3A_50 = arith.addi %mul3A_49, %get3A_46 : vector<16xi32>
    %swap3A_51 = arith.constant 0 : i32
    %swap3A_52 = arith.index_cast %swap3A_51 : i32 to index
    %swap3A_53 = arith.constant 48 : index
    %swap3A_54 = tpu.vector_load %arg8[%swap3A_52, %swap3A_53] {strides = array<i32>} : memref<4x128xi32, #tpu.memory_space<vmem>>, vector<16xi32>,
    tpu.vector_store %arg8[%swap3A_52, %swap3A_53], %add3A_50 {strides = array<i32>} : memref<4x128xi32, #tpu.memory_space<vmem>>, vector<16xi32>,
    %get3A_55 = arith.constant 64 : index
    %get3A_56 = tpu.vector_load %arg6[%get3A_55] {strides = array<i32>} : memref<512xi32, #tpu.memory_space<vmem>>, vector<16xi32>,
    %get3A_57 = arith.constant 64 : index
    %get3A_58 = tpu.vector_load %arg7[%get3A_57] {strides = array<i32>} : memref<512xi32, #tpu.memory_space<vmem>>, vector<16xi32>,
    %mul3A_59 = arith.constant 8 : i32
    %mul3A_60 = vector.broadcast %mul3A_59 : i32 to vector<16xi32>
    %mul3A_61 = arith.muli %get3A_56, %mul3A_60 : vector<16xi32>
    %add3A_62 = arith.addi %mul3A_61, %get3A_58 : vector<16xi32>
    %swap3A_63 = arith.constant 0 : i32
    %swap3A_64 = arith.index_cast %swap3A_63 : i32 to index
    %swap3A_65 = arith.constant 64 : index
    %swap3A_66 = tpu.vector_load %arg8[%swap3A_64, %swap3A_65] {strides = array<i32>} : memref<4x128xi32, #tpu.memory_space<vmem>>, vector<16xi32>,
    tpu.vector_store %arg8[%swap3A_64, %swap3A_65], %add3A_62 {strides = array<i32>} : memref<4x128xi32, #tpu.memory_space<vmem>>, vector<16xi32>,
    %get3A_67 = arith.constant 80 : index
    %get3A_68 = tpu.vector_load %arg6[%get3A_67] {strides = array<i32>} : memref<512xi32, #tpu.memory_space<vmem>>, vector<16xi32>,
    %get3A_69 = arith.constant 80 : index
    %get3A_70 = tpu.vector_load %arg7[%get3A_69] {strides = array<i32>} : memref<512xi32, #tpu.memory_space<vmem>>, vector<16xi32>,
    %mul3A_71 = arith.constant 8 : i32
    %mul3A_72 = vector.broadcast %mul3A_71 : i32 to vector<16xi32>
    %mul3A_73 = arith.muli %get3A_68, %mul3A_72 : vector<16xi32>
    %add3A_74 = arith.addi %mul3A_73, %get3A_70 : vector<16xi32>
    %swap3A_75 = arith.constant 0 : i32
    %swap3A_76 = arith.index_cast %swap3A_75 : i32 to index
    %swap3A_77 = arith.constant 80 : index
    %swap3A_78 = tpu.vector_load %arg8[%swap3A_76, %swap3A_77] {strides = array<i32>} : memref<4x128xi32, #tpu.memory_space<vmem>>, vector<16xi32>,
    tpu.vector_store %arg8[%swap3A_76, %swap3A_77], %add3A_74 {strides = array<i32>} : memref<4x128xi32, #tpu.memory_space<vmem>>, vector<16xi32>,
    %get3A_79 = arith.constant 96 : index
    %get3A_80 = tpu.vector_load %arg6[%get3A_79] {strides = array<i32>} : memref<512xi32, #tpu.memory_space<vmem>>, vector<16xi32>,
    %get3A_81 = arith.constant 96 : index
    %get3A_82 = tpu.vector_load %arg7[%get3A_81] {strides = array<i32>} : memref<512xi32, #tpu.memory_space<vmem>>, vector<16xi32>,
    %mul3A_83 = arith.constant 8 : i32
    %mul3A_84 = vector.broadcast %mul3A_83 : i32 to vector<16xi32>
    %mul3A_85 = arith.muli %get3A_80, %mul3A_84 : vector<16xi32>
    %add3A_86 = arith.addi %mul3A_85, %get3A_82 : vector<16xi32>
    %swap3A_87 = arith.constant 0 : i32
    %swap3A_88 = arith.index_cast %swap3A_87 : i32 to index
    %swap3A_89 = arith.constant 96 : index
    %swap3A_90 = tpu.vector_load %arg8[%swap3A_88, %swap3A_89] {strides = array<i32>} : memref<4x128xi32, #tpu.memory_space<vmem>>, vector<16xi32>,
    tpu.vector_store %arg8[%swap3A_88, %swap3A_89], %add3A_86 {strides = array<i32>} : memref<4x128xi32, #tpu.memory_space<vmem>>, vector<16xi32>,
    %get3A_91 = arith.constant 112 : index
    %get3A_92 = tpu.vector_load %arg6[%get3A_91] {strides = array<i32>} : memref<512xi32, #tpu.memory_space<vmem>>, vector<16xi32>,
    %get3A_93 = arith.constant 112 : index
    %get3A_94 = tpu.vector_load %arg7[%get3A_93] {strides = array<i32>} : memref<512xi32, #tpu.memory_space<vmem>>, vector<16xi32>,
    %mul3A_95 = arith.constant 8 : i32
    %mul3A_96 = vector.broadcast %mul3A_95 : i32 to vector<16xi32>
    %mul3A_97 = arith.muli %get3A_92, %mul3A_96 : vector<16xi32>
    %add3A_98 = arith.addi %mul3A_97, %get3A_94 : vector<16xi32>
    %swap3A_99 = arith.constant 0 : i32
    %swap3A_100 = arith.index_cast %swap3A_99 : i32 to index
    %swap3A_101 = arith.constant 112 : index
    %swap3A_102 = tpu.vector_load %arg8[%swap3A_100, %swap3A_101] {strides = array<i32>} : memref<4x128xi32, #tpu.memory_space<vmem>>, vector<16xi32>,
    tpu.vector_store %arg8[%swap3A_100, %swap3A_101], %add3A_98 {strides = array<i32>} : memref<4x128xi32, #tpu.memory_space<vmem>>, vector<16xi32>,
    %dma_start3A_103 = arith.constant 0 : i32
    %dma_start3A_104 = arith.constant 0 : i32
    %dma_start3A_105 = arith.constant 0 : i32
    %dma_start3A_106 = arith.constant 0 : i32
    %dma_start3A_107 = tpu.memref_slice %arg9[%dma_start3A_105, %dma_start3A_106] : memref<512x64xf32, #tpu.memory_space<vmem>> -> memref<128x64xf32, #tpu.memory_space<vmem>>
    %dma_start3A_108 = arith.constant 0 : i32
    %dma_start3A_109 = tpu.memref_slice %arg8[%dma_start3A_103, %dma_start3A_108] : memref<4x128xi32, #tpu.memory_space<vmem>> -> memref<1x128xi32, #tpu.memory_space<vmem>>
    %dma_start3A_110 = tpu.memref_squeeze %dma_start3A_109 : memref<1x128xi32, #tpu.memory_space<vmem>> -> memref<128xi32, #tpu.memory_space<vmem>>
    %dma_start3A_111 = arith.constant 0 : i32
    %dma_start3A_112 = arith.constant 0 : i32
    %dma_start3A_113 = tpu.memref_slice %arg4[%dma_start3A_111, %dma_start3A_112] : memref<2048x64xf32, #tpu.memory_space<hbm>> -> memref<2048x64xf32, #tpu.memory_space<hbm>>
    %dma_start3A_114 = tpu.memref_slice %arg12[%dma_start3A_104] : memref<4x!tpu.dma_semaphore, #tpu.memory_space<semaphore_mem>> -> memref<1x!tpu.dma_semaphore, #tpu.memory_space<semaphore_mem>>
    %dma_start3A_115 = tpu.memref_squeeze %dma_start3A_114 : memref<1x!tpu.dma_semaphore, #tpu.memory_space<semaphore_mem>> -> memref<!tpu.dma_semaphore, #tpu.memory_space<semaphore_mem>>
    tpu.enqueue_indirect_dma source(%dma_start3A_113 : memref<2048x64xf32, #tpu.memory_space<hbm>>) target(%dma_start3A_107 : memref<128x64xf32, #tpu.memory_space<vmem>>) offsets(%dma_start3A_110 : memref<128xi32, #tpu.memory_space<vmem>>) semaphore(%dma_start3A_115 : memref<!tpu.dma_semaphore, #tpu.memory_space<semaphore_mem>>)
    %get3A_116 = arith.constant 128 : index
    %get3A_117 = tpu.vector_load %arg6[%get3A_116] {strides = array<i32>} : memref<512xi32, #tpu.memory_space<vmem>>, vector<16xi32>,
    %get3A_118 = arith.constant 128 : index
    %get3A_119 = tpu.vector_load %arg7[%get3A_118] {strides = array<i32>} : memref<512xi32, #tpu.memory_space<vmem>>, vector<16xi32>,
    %mul3A_120 = arith.constant 8 : i32
    %mul3A_121 = vector.broadcast %mul3A_120 : i32 to vector<16xi32>
    %mul3A_122 = arith.muli %get3A_117, %mul3A_121 : vector<16xi32>
    %add3A_123 = arith.addi %mul3A_122, %get3A_119 : vector<16xi32>
    %swap3A_124 = arith.constant 1 : i32
    %swap3A_125 = arith.index_cast %swap3A_124 : i32 to index
    %swap3A_126 = arith.constant 0 : index
    %swap3A_127 = tpu.vector_load %arg8[%swap3A_125, %swap3A_126] {strides = array<i32>} : memref<4x128xi32, #tpu.memory_space<vmem>>, vector<16xi32>,
    tpu.vector_store %arg8[%swap3A_125, %swap3A_126], %add3A_123 {strides = array<i32>} : memref<4x128xi32, #tpu.memory_space<vmem>>, vector<16xi32>,
    %get3A_128 = arith.constant 144 : index
    %get3A_129 = tpu.vector_load %arg6[%get3A_128] {strides = array<i32>} : memref<512xi32, #tpu.memory_space<vmem>>, vector<16xi32>,
    %get3A_130 = arith.constant 144 : index
    %get3A_131 = tpu.vector_load %arg7[%get3A_130] {strides = array<i32>} : memref<512xi32, #tpu.memory_space<vmem>>, vector<16xi32>,
    %mul3A_132 = arith.constant 8 : i32
    %mul3A_133 = vector.broadcast %mul3A_132 : i32 to vector<16xi32>
    %mul3A_134 = arith.muli %get3A_129, %mul3A_133 : vector<16xi32>
    %add3A_135 = arith.addi %mul3A_134, %get3A_131 : vector<16xi32>
    %swap3A_136 = arith.constant 1 : i32
    %swap3A_137 = arith.index_cast %swap3A_136 : i32 to index
    %swap3A_138 = arith.constant 16 : index
    %swap3A_139 = tpu.vector_load %arg8[%swap3A_137, %swap3A_138] {strides = array<i32>} : memref<4x128xi32, #tpu.memory_space<vmem>>, vector<16xi32>,
    tpu.vector_store %arg8[%swap3A_137, %swap3A_138], %add3A_135 {strides = array<i32>} : memref<4x128xi32, #tpu.memory_space<vmem>>, vector<16xi32>,
    %get3A_140 = arith.constant 160 : index
    %get3A_141 = tpu.vector_load %arg6[%get3A_140] {strides = array<i32>} : memref<512xi32, #tpu.memory_space<vmem>>, vector<16xi32>,
    %get3A_142 = arith.constant 160 : index
    %get3A_143 = tpu.vector_load %arg7[%get3A_142] {strides = array<i32>} : memref<512xi32, #tpu.memory_space<vmem>>, vector<16xi32>,
    %mul3A_144 = arith.constant 8 : i32
    %mul3A_145 = vector.broadcast %mul3A_144 : i32 to vector<16xi32>
    %mul3A_146 = arith.muli %get3A_141, %mul3A_145 : vector<16xi32>
    %add3A_147 = arith.addi %mul3A_146, %get3A_143 : vector<16xi32>
    %swap3A_148 = arith.constant 1 : i32
    %swap3A_149 = arith.index_cast %swap3A_148 : i32 to index
    %swap3A_150 = arith.constant 32 : index
    %swap3A_151 = tpu.vector_load %arg8[%swap3A_149, %swap3A_150] {strides = array<i32>} : memref<4x128xi32, #tpu.memory_space<vmem>>, vector<16xi32>,
    tpu.vector_store %arg8[%swap3A_149, %swap3A_150], %add3A_147 {strides = array<i32>} : memref<4x128xi32, #tpu.memory_space<vmem>>, vector<16xi32>,
    %get3A_152 = arith.constant 176 : index
    %get3A_153 = tpu.vector_load %arg6[%get3A_152] {strides = array<i32>} : memref<512xi32, #tpu.memory_space<vmem>>, vector<16xi32>,
    %get3A_154 = arith.constant 176 : index
    %get3A_155 = tpu.vector_load %arg7[%get3A_154] {strides = array<i32>} : memref<512xi32, #tpu.memory_space<vmem>>, vector<16xi32>,
    %mul3A_156 = arith.constant 8 : i32
    %mul3A_157 = vector.broadcast %mul3A_156 : i32 to vector<16xi32>
    %mul3A_158 = arith.muli %get3A_153, %mul3A_157 : vector<16xi32>
    %add3A_159 = arith.addi %mul3A_158, %get3A_155 : vector<16xi32>
    %swap3A_160 = arith.constant 1 : i32
    %swap3A_161 = arith.index_cast %swap3A_160 : i32 to index
    %swap3A_162 = arith.constant 48 : index
    %swap3A_163 = tpu.vector_load %arg8[%swap3A_161, %swap3A_162] {strides = array<i32>} : memref<4x128xi32, #tpu.memory_space<vmem>>, vector<16xi32>,
    tpu.vector_store %arg8[%swap3A_161, %swap3A_162], %add3A_159 {strides = array<i32>} : memref<4x128xi32, #tpu.memory_space<vmem>>, vector<16xi32>,
    %get3A_164 = arith.constant 192 : index
    %get3A_165 = tpu.vector_load %arg6[%get3A_164] {strides = array<i32>} : memref<512xi32, #tpu.memory_space<vmem>>, vector<16xi32>,
    %get3A_166 = arith.constant 192 : index
    %get3A_167 = tpu.vector_load %arg7[%get3A_166] {strides = array<i32>} : memref<512xi32, #tpu.memory_space<vmem>>, vector<16xi32>,
    %mul3A_168 = arith.constant 8 : i32
    %mul3A_169 = vector.broadcast %mul3A_168 : i32 to vector<16xi32>
    %mul3A_170 = arith.muli %get3A_165, %mul3A_169 : vector<16xi32>
    %add3A_171 = arith.addi %mul3A_170, %get3A_167 : vector<16xi32>
    %swap3A_172 = arith.constant 1 : i32
    %swap3A_173 = arith.index_cast %swap3A_172 : i32 to index
    %swap3A_174 = arith.constant 64 : index
    %swap3A_175 = tpu.vector_load %arg8[%swap3A_173, %swap3A_174] {strides = array<i32>} : memref<4x128xi32, #tpu.memory_space<vmem>>, vector<16xi32>,
    tpu.vector_store %arg8[%swap3A_173, %swap3A_174], %add3A_171 {strides = array<i32>} : memref<4x128xi32, #tpu.memory_space<vmem>>, vector<16xi32>,
    %get3A_176 = arith.constant 208 : index
    %get3A_177 = tpu.vector_load %arg6[%get3A_176] {strides = array<i32>} : memref<512xi32, #tpu.memory_space<vmem>>, vector<16xi32>,
    %get3A_178 = arith.constant 208 : index
    %get3A_179 = tpu.vector_load %arg7[%get3A_178] {strides = array<i32>} : memref<512xi32, #tpu.memory_space<vmem>>, vector<16xi32>,
    %mul3A_180 = arith.constant 8 : i32
    %mul3A_181 = vector.broadcast %mul3A_180 : i32 to vector<16xi32>
    %mul3A_182 = arith.muli %get3A_177, %mul3A_181 : vector<16xi32>
    %add3A_183 = arith.addi %mul3A_182, %get3A_179 : vector<16xi32>
    %swap3A_184 = arith.constant 1 : i32
    %swap3A_185 = arith.index_cast %swap3A_184 : i32 to index
    %swap3A_186 = arith.constant 80 : index
    %swap3A_187 = tpu.vector_load %arg8[%swap3A_185, %swap3A_186] {strides = array<i32>} : memref<4x128xi32, #tpu.memory_space<vmem>>, vector<16xi32>,
    tpu.vector_store %arg8[%swap3A_185, %swap3A_186], %add3A_183 {strides = array<i32>} : memref<4x128xi32, #tpu.memory_space<vmem>>, vector<16xi32>,
    %get3A_188 = arith.constant 224 : index
    %get3A_189 = tpu.vector_load %arg6[%get3A_188] {strides = array<i32>} : memref<512xi32, #tpu.memory_space<vmem>>, vector<16xi32>,
    %get3A_190 = arith.constant 224 : index
    %get3A_191 = tpu.vector_load %arg7[%get3A_190] {strides = array<i32>} : memref<512xi32, #tpu.memory_space<vmem>>, vector<16xi32>,
    %mul3A_192 = arith.constant 8 : i32
    %mul3A_193 = vector.broadcast %mul3A_192 : i32 to vector<16xi32>
    %mul3A_194 = arith.muli %get3A_189, %mul3A_193 : vector<16xi32>
    %add3A_195 = arith.addi %mul3A_194, %get3A_191 : vector<16xi32>
    %swap3A_196 = arith.constant 1 : i32
    %swap3A_197 = arith.index_cast %swap3A_196 : i32 to index
    %swap3A_198 = arith.constant 96 : index
    %swap3A_199 = tpu.vector_load %arg8[%swap3A_197, %swap3A_198] {strides = array<i32>} : memref<4x128xi32, #tpu.memory_space<vmem>>, vector<16xi32>,
    tpu.vector_store %arg8[%swap3A_197, %swap3A_198], %add3A_195 {strides = array<i32>} : memref<4x128xi32, #tpu.memory_space<vmem>>, vector<16xi32>,
    %get3A_200 = arith.constant 240 : index
    %get3A_201 = tpu.vector_load %arg6[%get3A_200] {strides = array<i32>} : memref<512xi32, #tpu.memory_space<vmem>>, vector<16xi32>,
    %get3A_202 = arith.constant 240 : index
    %get3A_203 = tpu.vector_load %arg7[%get3A_202] {strides = array<i32>} : memref<512xi32, #tpu.memory_space<vmem>>, vector<16xi32>,
    %mul3A_204 = arith.constant 8 : i32
    %mul3A_205 = vector.broadcast %mul3A_204 : i32 to vector<16xi32>
    %mul3A_206 = arith.muli %get3A_201, %mul3A_205 : vector<16xi32>
    %add3A_207 = arith.addi %mul3A_206, %get3A_203 : vector<16xi32>
    %swap3A_208 = arith.constant 1 : i32
    %swap3A_209 = arith.index_cast %swap3A_208 : i32 to index
    %swap3A_210 = arith.constant 112 : index
    %swap3A_211 = tpu.vector_load %arg8[%swap3A_209, %swap3A_210] {strides = array<i32>} : memref<4x128xi32, #tpu.memory_space<vmem>>, vector<16xi32>,
    tpu.vector_store %arg8[%swap3A_209, %swap3A_210], %add3A_207 {strides = array<i32>} : memref<4x128xi32, #tpu.memory_space<vmem>>, vector<16xi32>,
    %dma_start3A_212 = arith.constant 1 : i32
    %dma_start3A_213 = arith.constant 1 : i32
    %dma_start3A_214 = arith.constant 128 : i32
    %dma_start3A_215 = arith.constant 0 : i32
    %dma_start3A_216 = tpu.memref_slice %arg9[%dma_start3A_214, %dma_start3A_215] : memref<512x64xf32, #tpu.memory_space<vmem>> -> memref<128x64xf32, #tpu.memory_space<vmem>>
    %dma_start3A_217 = arith.constant 0 : i32
    %dma_start3A_218 = tpu.memref_slice %arg8[%dma_start3A_212, %dma_start3A_217] : memref<4x128xi32, #tpu.memory_space<vmem>> -> memref<1x128xi32, #tpu.memory_space<vmem>>
    %dma_start3A_219 = tpu.memref_squeeze %dma_start3A_218 : memref<1x128xi32, #tpu.memory_space<vmem>> -> memref<128xi32, #tpu.memory_space<vmem>>
    %dma_start3A_220 = arith.constant 0 : i32
    %dma_start3A_221 = arith.constant 0 : i32
    %dma_start3A_222 = tpu.memref_slice %arg4[%dma_start3A_220, %dma_start3A_221] : memref<2048x64xf32, #tpu.memory_space<hbm>> -> memref<2048x64xf32, #tpu.memory_space<hbm>>
    %dma_start3A_223 = tpu.memref_slice %arg12[%dma_start3A_213] : memref<4x!tpu.dma_semaphore, #tpu.memory_space<semaphore_mem>> -> memref<1x!tpu.dma_semaphore, #tpu.memory_space<semaphore_mem>>
    %dma_start3A_224 = tpu.memref_squeeze %dma_start3A_223 : memref<1x!tpu.dma_semaphore, #tpu.memory_space<semaphore_mem>> -> memref<!tpu.dma_semaphore, #tpu.memory_space<semaphore_mem>>
    tpu.enqueue_indirect_dma source(%dma_start3A_222 : memref<2048x64xf32, #tpu.memory_space<hbm>>) target(%dma_start3A_216 : memref<128x64xf32, #tpu.memory_space<vmem>>) offsets(%dma_start3A_219 : memref<128xi32, #tpu.memory_space<vmem>>) semaphore(%dma_start3A_224 : memref<!tpu.dma_semaphore, #tpu.memory_space<semaphore_mem>>)
    %get3A_225 = arith.constant 256 : index
    %get3A_226 = tpu.vector_load %arg6[%get3A_225] {strides = array<i32>} : memref<512xi32, #tpu.memory_space<vmem>>, vector<16xi32>,
    %get3A_227 = arith.constant 256 : index
    %get3A_228 = tpu.vector_load %arg7[%get3A_227] {strides = array<i32>} : memref<512xi32, #tpu.memory_space<vmem>>, vector<16xi32>,
    %mul3A_229 = arith.constant 8 : i32
    %mul3A_230 = vector.broadcast %mul3A_229 : i32 to vector<16xi32>
    %mul3A_231 = arith.muli %get3A_226, %mul3A_230 : vector<16xi32>
    %add3A_232 = arith.addi %mul3A_231, %get3A_228 : vector<16xi32>
    %swap3A_233 = arith.constant 2 : i32
    %swap3A_234 = arith.index_cast %swap3A_233 : i32 to index
    %swap3A_235 = arith.constant 0 : index
    %swap3A_236 = tpu.vector_load %arg8[%swap3A_234, %swap3A_235] {strides = array<i32>} : memref<4x128xi32, #tpu.memory_space<vmem>>, vector<16xi32>,
    tpu.vector_store %arg8[%swap3A_234, %swap3A_235], %add3A_232 {strides = array<i32>} : memref<4x128xi32, #tpu.memory_space<vmem>>, vector<16xi32>,
    %get3A_237 = arith.constant 272 : index
    %get3A_238 = tpu.vector_load %arg6[%get3A_237] {strides = array<i32>} : memref<512xi32, #tpu.memory_space<vmem>>, vector<16xi32>,
    %get3A_239 = arith.constant 272 : index
    %get3A_240 = tpu.vector_load %arg7[%get3A_239] {strides = array<i32>} : memref<512xi32, #tpu.memory_space<vmem>>, vector<16xi32>,
    %mul3A_241 = arith.constant 8 : i32
    %mul3A_242 = vector.broadcast %mul3A_241 : i32 to vector<16xi32>
    %mul3A_243 = arith.muli %get3A_238, %mul3A_242 : vector<16xi32>
    %add3A_244 = arith.addi %mul3A_243, %get3A_240 : vector<16xi32>
    %swap3A_245 = arith.constant 2 : i32
    %swap3A_246 = arith.index_cast %swap3A_245 : i32 to index
    %swap3A_247 = arith.constant 16 : index
    %swap3A_248 = tpu.vector_load %arg8[%swap3A_246, %swap3A_247] {strides = array<i32>} : memref<4x128xi32, #tpu.memory_space<vmem>>, vector<16xi32>,
    tpu.vector_store %arg8[%swap3A_246, %swap3A_247], %add3A_244 {strides = array<i32>} : memref<4x128xi32, #tpu.memory_space<vmem>>, vector<16xi32>,
    %get3A_249 = arith.constant 288 : index
    %get3A_250 = tpu.vector_load %arg6[%get3A_249] {strides = array<i32>} : memref<512xi32, #tpu.memory_space<vmem>>, vector<16xi32>,
    %get3A_251 = arith.constant 288 : index
    %get3A_252 = tpu.vector_load %arg7[%get3A_251] {strides = array<i32>} : memref<512xi32, #tpu.memory_space<vmem>>, vector<16xi32>,
    %mul3A_253 = arith.constant 8 : i32
    %mul3A_254 = vector.broadcast %mul3A_253 : i32 to vector<16xi32>
    %mul3A_255 = arith.muli %get3A_250, %mul3A_254 : vector<16xi32>
    %add3A_256 = arith.addi %mul3A_255, %get3A_252 : vector<16xi32>
    %swap3A_257 = arith.constant 2 : i32
    %swap3A_258 = arith.index_cast %swap3A_257 : i32 to index
    %swap3A_259 = arith.constant 32 : index
    %swap3A_260 = tpu.vector_load %arg8[%swap3A_258, %swap3A_259] {strides = array<i32>} : memref<4x128xi32, #tpu.memory_space<vmem>>, vector<16xi32>,
    tpu.vector_store %arg8[%swap3A_258, %swap3A_259], %add3A_256 {strides = array<i32>} : memref<4x128xi32, #tpu.memory_space<vmem>>, vector<16xi32>,
    %get3A_261 = arith.constant 304 : index
    %get3A_262 = tpu.vector_load %arg6[%get3A_261] {strides = array<i32>} : memref<512xi32, #tpu.memory_space<vmem>>, vector<16xi32>,
    %get3A_263 = arith.constant 304 : index
    %get3A_264 = tpu.vector_load %arg7[%get3A_263] {strides = array<i32>} : memref<512xi32, #tpu.memory_space<vmem>>, vector<16xi32>,
    %mul3A_265 = arith.constant 8 : i32
    %mul3A_266 = vector.broadcast %mul3A_265 : i32 to vector<16xi32>
    %mul3A_267 = arith.muli %get3A_262, %mul3A_266 : vector<16xi32>
    %add3A_268 = arith.addi %mul3A_267, %get3A_264 : vector<16xi32>
    %swap3A_269 = arith.constant 2 : i32
    %swap3A_270 = arith.index_cast %swap3A_269 : i32 to index
    %swap3A_271 = arith.constant 48 : index
    %swap3A_272 = tpu.vector_load %arg8[%swap3A_270, %swap3A_271] {strides = array<i32>} : memref<4x128xi32, #tpu.memory_space<vmem>>, vector<16xi32>,
    tpu.vector_store %arg8[%swap3A_270, %swap3A_271], %add3A_268 {strides = array<i32>} : memref<4x128xi32, #tpu.memory_space<vmem>>, vector<16xi32>,
    %get3A_273 = arith.constant 320 : index
    %get3A_274 = tpu.vector_load %arg6[%get3A_273] {strides = array<i32>} : memref<512xi32, #tpu.memory_space<vmem>>, vector<16xi32>,
    %get3A_275 = arith.constant 320 : index
    %get3A_276 = tpu.vector_load %arg7[%get3A_275] {strides = array<i32>} : memref<512xi32, #tpu.memory_space<vmem>>, vector<16xi32>,
    %mul3A_277 = arith.constant 8 : i32
    %mul3A_278 = vector.broadcast %mul3A_277 : i32 to vector<16xi32>
    %mul3A_279 = arith.muli %get3A_274, %mul3A_278 : vector<16xi32>
    %add3A_280 = arith.addi %mul3A_279, %get3A_276 : vector<16xi32>
    %swap3A_281 = arith.constant 2 : i32
    %swap3A_282 = arith.index_cast %swap3A_281 : i32 to index
    %swap3A_283 = arith.constant 64 : index
    %swap3A_284 = tpu.vector_load %arg8[%swap3A_282, %swap3A_283] {strides = array<i32>} : memref<4x128xi32, #tpu.memory_space<vmem>>, vector<16xi32>,
    tpu.vector_store %arg8[%swap3A_282, %swap3A_283], %add3A_280 {strides = array<i32>} : memref<4x128xi32, #tpu.memory_space<vmem>>, vector<16xi32>,
    %get3A_285 = arith.constant 336 : index
    %get3A_286 = tpu.vector_load %arg6[%get3A_285] {strides = array<i32>} : memref<512xi32, #tpu.memory_space<vmem>>, vector<16xi32>,
    %get3A_287 = arith.constant 336 : index
    %get3A_288 = tpu.vector_load %arg7[%get3A_287] {strides = array<i32>} : memref<512xi32, #tpu.memory_space<vmem>>, vector<16xi32>,
    %mul3A_289 = arith.constant 8 : i32
    %mul3A_290 = vector.broadcast %mul3A_289 : i32 to vector<16xi32>
    %mul3A_291 = arith.muli %get3A_286, %mul3A_290 : vector<16xi32>
    %add3A_292 = arith.addi %mul3A_291, %get3A_288 : vector<16xi32>
    %swap3A_293 = arith.constant 2 : i32
    %swap3A_294 = arith.index_cast %swap3A_293 : i32 to index
    %swap3A_295 = arith.constant 80 : index
    %swap3A_296 = tpu.vector_load %arg8[%swap3A_294, %swap3A_295] {strides = array<i32>} : memref<4x128xi32, #tpu.memory_space<vmem>>, vector<16xi32>,
    tpu.vector_store %arg8[%swap3A_294, %swap3A_295], %add3A_292 {strides = array<i32>} : memref<4x128xi32, #tpu.memory_space<vmem>>, vector<16xi32>,
    %get3A_297 = arith.constant 352 : index
    %get3A_298 = tpu.vector_load %arg6[%get3A_297] {strides = array<i32>} : memref<512xi32, #tpu.memory_space<vmem>>, vector<16xi32>,
    %get3A_299 = arith.constant 352 : index
    %get3A_300 = tpu.vector_load %arg7[%get3A_299] {strides = array<i32>} : memref<512xi32, #tpu.memory_space<vmem>>, vector<16xi32>,
    %mul3A_301 = arith.constant 8 : i32
    %mul3A_302 = vector.broadcast %mul3A_301 : i32 to vector<16xi32>
    %mul3A_303 = arith.muli %get3A_298, %mul3A_302 : vector<16xi32>
    %add3A_304 = arith.addi %mul3A_303, %get3A_300 : vector<16xi32>
    %swap3A_305 = arith.constant 2 : i32
    %swap3A_306 = arith.index_cast %swap3A_305 : i32 to index
    %swap3A_307 = arith.constant 96 : index
    %swap3A_308 = tpu.vector_load %arg8[%swap3A_306, %swap3A_307] {strides = array<i32>} : memref<4x128xi32, #tpu.memory_space<vmem>>, vector<16xi32>,
    tpu.vector_store %arg8[%swap3A_306, %swap3A_307], %add3A_304 {strides = array<i32>} : memref<4x128xi32, #tpu.memory_space<vmem>>, vector<16xi32>,
    %get3A_309 = arith.constant 368 : index
    %get3A_310 = tpu.vector_load %arg6[%get3A_309] {strides = array<i32>} : memref<512xi32, #tpu.memory_space<vmem>>, vector<16xi32>,
    %get3A_311 = arith.constant 368 : index
    %get3A_312 = tpu.vector_load %arg7[%get3A_311] {strides = array<i32>} : memref<512xi32, #tpu.memory_space<vmem>>, vector<16xi32>,
    %mul3A_313 = arith.constant 8 : i32
    %mul3A_314 = vector.broadcast %mul3A_313 : i32 to vector<16xi32>
    %mul3A_315 = arith.muli %get3A_310, %mul3A_314 : vector<16xi32>
    %add3A_316 = arith.addi %mul3A_315, %get3A_312 : vector<16xi32>
    %swap3A_317 = arith.constant 2 : i32
    %swap3A_318 = arith.index_cast %swap3A_317 : i32 to index
    %swap3A_319 = arith.constant 112 : index
    %swap3A_320 = tpu.vector_load %arg8[%swap3A_318, %swap3A_319] {strides = array<i32>} : memref<4x128xi32, #tpu.memory_space<vmem>>, vector<16xi32>,
    tpu.vector_store %arg8[%swap3A_318, %swap3A_319], %add3A_316 {strides = array<i32>} : memref<4x128xi32, #tpu.memory_space<vmem>>, vector<16xi32>,
    %dma_start3A_321 = arith.constant 2 : i32
    %dma_start3A_322 = arith.constant 2 : i32
    %dma_start3A_323 = arith.constant 256 : i32
    %dma_start3A_324 = arith.constant 0 : i32
    %dma_start3A_325 = tpu.memref_slice %arg9[%dma_start3A_323, %dma_start3A_324] : memref<512x64xf32, #tpu.memory_space<vmem>> -> memref<128x64xf32, #tpu.memory_space<vmem>>
    %dma_start3A_326 = arith.constant 0 : i32
    %dma_start3A_327 = tpu.memref_slice %arg8[%dma_start3A_321, %dma_start3A_326] : memref<4x128xi32, #tpu.memory_space<vmem>> -> memref<1x128xi32, #tpu.memory_space<vmem>>
    %dma_start3A_328 = tpu.memref_squeeze %dma_start3A_327 : memref<1x128xi32, #tpu.memory_space<vmem>> -> memref<128xi32, #tpu.memory_space<vmem>>
    %dma_start3A_329 = arith.constant 0 : i32
    %dma_start3A_330 = arith.constant 0 : i32
    %dma_start3A_331 = tpu.memref_slice %arg4[%dma_start3A_329, %dma_start3A_330] : memref<2048x64xf32, #tpu.memory_space<hbm>> -> memref<2048x64xf32, #tpu.memory_space<hbm>>
    %dma_start3A_332 = tpu.memref_slice %arg12[%dma_start3A_322] : memref<4x!tpu.dma_semaphore, #tpu.memory_space<semaphore_mem>> -> memref<1x!tpu.dma_semaphore, #tpu.memory_space<semaphore_mem>>
    %dma_start3A_333 = tpu.memref_squeeze %dma_start3A_332 : memref<1x!tpu.dma_semaphore, #tpu.memory_space<semaphore_mem>> -> memref<!tpu.dma_semaphore, #tpu.memory_space<semaphore_mem>>
    tpu.enqueue_indirect_dma source(%dma_start3A_331 : memref<2048x64xf32, #tpu.memory_space<hbm>>) target(%dma_start3A_325 : memref<128x64xf32, #tpu.memory_space<vmem>>) offsets(%dma_start3A_328 : memref<128xi32, #tpu.memory_space<vmem>>) semaphore(%dma_start3A_333 : memref<!tpu.dma_semaphore, #tpu.memory_space<semaphore_mem>>)
    %get3A_334 = arith.constant 384 : index
    %get3A_335 = tpu.vector_load %arg6[%get3A_334] {strides = array<i32>} : memref<512xi32, #tpu.memory_space<vmem>>, vector<16xi32>,
    %get3A_336 = arith.constant 384 : index
    %get3A_337 = tpu.vector_load %arg7[%get3A_336] {strides = array<i32>} : memref<512xi32, #tpu.memory_space<vmem>>, vector<16xi32>,
    %mul3A_338 = arith.constant 8 : i32
    %mul3A_339 = vector.broadcast %mul3A_338 : i32 to vector<16xi32>
    %mul3A_340 = arith.muli %get3A_335, %mul3A_339 : vector<16xi32>
    %add3A_341 = arith.addi %mul3A_340, %get3A_337 : vector<16xi32>
    %swap3A_342 = arith.constant 3 : i32
    %swap3A_343 = arith.index_cast %swap3A_342 : i32 to index
    %swap3A_344 = arith.constant 0 : index
    %swap3A_345 = tpu.vector_load %arg8[%swap3A_343, %swap3A_344] {strides = array<i32>} : memref<4x128xi32, #tpu.memory_space<vmem>>, vector<16xi32>,
    tpu.vector_store %arg8[%swap3A_343, %swap3A_344], %add3A_341 {strides = array<i32>} : memref<4x128xi32, #tpu.memory_space<vmem>>, vector<16xi32>,
    %get3A_346 = arith.constant 400 : index
    %get3A_347 = tpu.vector_load %arg6[%get3A_346] {strides = array<i32>} : memref<512xi32, #tpu.memory_space<vmem>>, vector<16xi32>,
    %get3A_348 = arith.constant 400 : index
    %get3A_349 = tpu.vector_load %arg7[%get3A_348] {strides = array<i32>} : memref<512xi32, #tpu.memory_space<vmem>>, vector<16xi32>,
    %mul3A_350 = arith.constant 8 : i32
    %mul3A_351 = vector.broadcast %mul3A_350 : i32 to vector<16xi32>
    %mul3A_352 = arith.muli %get3A_347, %mul3A_351 : vector<16xi32>
    %add3A_353 = arith.addi %mul3A_352, %get3A_349 : vector<16xi32>
    %swap3A_354 = arith.constant 3 : i32
    %swap3A_355 = arith.index_cast %swap3A_354 : i32 to index
    %swap3A_356 = arith.constant 16 : index
    %swap3A_357 = tpu.vector_load %arg8[%swap3A_355, %swap3A_356] {strides = array<i32>} : memref<4x128xi32, #tpu.memory_space<vmem>>, vector<16xi32>,
    tpu.vector_store %arg8[%swap3A_355, %swap3A_356], %add3A_353 {strides = array<i32>} : memref<4x128xi32, #tpu.memory_space<vmem>>, vector<16xi32>,
    %get3A_358 = arith.constant 416 : index
    %get3A_359 = tpu.vector_load %arg6[%get3A_358] {strides = array<i32>} : memref<512xi32, #tpu.memory_space<vmem>>, vector<16xi32>,
    %get3A_360 = arith.constant 416 : index
    %get3A_361 = tpu.vector_load %arg7[%get3A_360] {strides = array<i32>} : memref<512xi32, #tpu.memory_space<vmem>>, vector<16xi32>,
    %mul3A_362 = arith.constant 8 : i32
    %mul3A_363 = vector.broadcast %mul3A_362 : i32 to vector<16xi32>
    %mul3A_364 = arith.muli %get3A_359, %mul3A_363 : vector<16xi32>
    %add3A_365 = arith.addi %mul3A_364, %get3A_361 : vector<16xi32>
    %swap3A_366 = arith.constant 3 : i32
    %swap3A_367 = arith.index_cast %swap3A_366 : i32 to index
    %swap3A_368 = arith.constant 32 : index
    %swap3A_369 = tpu.vector_load %arg8[%swap3A_367, %swap3A_368] {strides = array<i32>} : memref<4x128xi32, #tpu.memory_space<vmem>>, vector<16xi32>,
    tpu.vector_store %arg8[%swap3A_367, %swap3A_368], %add3A_365 {strides = array<i32>} : memref<4x128xi32, #tpu.memory_space<vmem>>, vector<16xi32>,
    %get3A_370 = arith.constant 432 : index
    %get3A_371 = tpu.vector_load %arg6[%get3A_370] {strides = array<i32>} : memref<512xi32, #tpu.memory_space<vmem>>, vector<16xi32>,
    %get3A_372 = arith.constant 432 : index
    %get3A_373 = tpu.vector_load %arg7[%get3A_372] {strides = array<i32>} : memref<512xi32, #tpu.memory_space<vmem>>, vector<16xi32>,
    %mul3A_374 = arith.constant 8 : i32
    %mul3A_375 = vector.broadcast %mul3A_374 : i32 to vector<16xi32>
    %mul3A_376 = arith.muli %get3A_371, %mul3A_375 : vector<16xi32>
    %add3A_377 = arith.addi %mul3A_376, %get3A_373 : vector<16xi32>
    %swap3A_378 = arith.constant 3 : i32
    %swap3A_379 = arith.index_cast %swap3A_378 : i32 to index
    %swap3A_380 = arith.constant 48 : index
    %swap3A_381 = tpu.vector_load %arg8[%swap3A_379, %swap3A_380] {strides = array<i32>} : memref<4x128xi32, #tpu.memory_space<vmem>>, vector<16xi32>,
    tpu.vector_store %arg8[%swap3A_379, %swap3A_380], %add3A_377 {strides = array<i32>} : memref<4x128xi32, #tpu.memory_space<vmem>>, vector<16xi32>,
    %get3A_382 = arith.constant 448 : index
    %get3A_383 = tpu.vector_load %arg6[%get3A_382] {strides = array<i32>} : memref<512xi32, #tpu.memory_space<vmem>>, vector<16xi32>,
    %get3A_384 = arith.constant 448 : index
    %get3A_385 = tpu.vector_load %arg7[%get3A_384] {strides = array<i32>} : memref<512xi32, #tpu.memory_space<vmem>>, vector<16xi32>,
    %mul3A_386 = arith.constant 8 : i32
    %mul3A_387 = vector.broadcast %mul3A_386 : i32 to vector<16xi32>
    %mul3A_388 = arith.muli %get3A_383, %mul3A_387 : vector<16xi32>
    %add3A_389 = arith.addi %mul3A_388, %get3A_385 : vector<16xi32>
    %swap3A_390 = arith.constant 3 : i32
    %swap3A_391 = arith.index_cast %swap3A_390 : i32 to index
    %swap3A_392 = arith.constant 64 : index
    %swap3A_393 = tpu.vector_load %arg8[%swap3A_391, %swap3A_392] {strides = array<i32>} : memref<4x128xi32, #tpu.memory_space<vmem>>, vector<16xi32>,
    tpu.vector_store %arg8[%swap3A_391, %swap3A_392], %add3A_389 {strides = array<i32>} : memref<4x128xi32, #tpu.memory_space<vmem>>, vector<16xi32>,
    %get3A_394 = arith.constant 464 : index
    %get3A_395 = tpu.vector_load %arg6[%get3A_394] {strides = array<i32>} : memref<512xi32, #tpu.memory_space<vmem>>, vector<16xi32>,
    %get3A_396 = arith.constant 464 : index
    %get3A_397 = tpu.vector_load %arg7[%get3A_396] {strides = array<i32>} : memref<512xi32, #tpu.memory_space<vmem>>, vector<16xi32>,
    %mul3A_398 = arith.constant 8 : i32
    %mul3A_399 = vector.broadcast %mul3A_398 : i32 to vector<16xi32>
    %mul3A_400 = arith.muli %get3A_395, %mul3A_399 : vector<16xi32>
    %add3A_401 = arith.addi %mul3A_400, %get3A_397 : vector<16xi32>
    %swap3A_402 = arith.constant 3 : i32
    %swap3A_403 = arith.index_cast %swap3A_402 : i32 to index
    %swap3A_404 = arith.constant 80 : index
    %swap3A_405 = tpu.vector_load %arg8[%swap3A_403, %swap3A_404] {strides = array<i32>} : memref<4x128xi32, #tpu.memory_space<vmem>>, vector<16xi32>,
    tpu.vector_store %arg8[%swap3A_403, %swap3A_404], %add3A_401 {strides = array<i32>} : memref<4x128xi32, #tpu.memory_space<vmem>>, vector<16xi32>,
    %get3A_406 = arith.constant 480 : index
    %get3A_407 = tpu.vector_load %arg6[%get3A_406] {strides = array<i32>} : memref<512xi32, #tpu.memory_space<vmem>>, vector<16xi32>,
    %get3A_408 = arith.constant 480 : index
    %get3A_409 = tpu.vector_load %arg7[%get3A_408] {strides = array<i32>} : memref<512xi32, #tpu.memory_space<vmem>>, vector<16xi32>,
    %mul3A_410 = arith.constant 8 : i32
    %mul3A_411 = vector.broadcast %mul3A_410 : i32 to vector<16xi32>
    %mul3A_412 = arith.muli %get3A_407, %mul3A_411 : vector<16xi32>
    %add3A_413 = arith.addi %mul3A_412, %get3A_409 : vector<16xi32>
    %swap3A_414 = arith.constant 3 : i32
    %swap3A_415 = arith.index_cast %swap3A_414 : i32 to index
    %swap3A_416 = arith.constant 96 : index
    %swap3A_417 = tpu.vector_load %arg8[%swap3A_415, %swap3A_416] {strides = array<i32>} : memref<4x128xi32, #tpu.memory_space<vmem>>, vector<16xi32>,
    tpu.vector_store %arg8[%swap3A_415, %swap3A_416], %add3A_413 {strides = array<i32>} : memref<4x128xi32, #tpu.memory_space<vmem>>, vector<16xi32>,
    %get3A_418 = arith.constant 496 : index
    %get3A_419 = tpu.vector_load %arg6[%get3A_418] {strides = array<i32>} : memref<512xi32, #tpu.memory_space<vmem>>, vector<16xi32>,
    %get3A_420 = arith.constant 496 : index
    %get3A_421 = tpu.vector_load %arg7[%get3A_420] {strides = array<i32>} : memref<512xi32, #tpu.memory_space<vmem>>, vector<16xi32>,
    %mul3A_422 = arith.constant 8 : i32
    %mul3A_423 = vector.broadcast %mul3A_422 : i32 to vector<16xi32>
    %mul3A_424 = arith.muli %get3A_419, %mul3A_423 : vector<16xi32>
    %add3A_425 = arith.addi %mul3A_424, %get3A_421 : vector<16xi32>
    %swap3A_426 = arith.constant 3 : i32
    %swap3A_427 = arith.index_cast %swap3A_426 : i32 to index
    %swap3A_428 = arith.constant 112 : index
    %swap3A_429 = tpu.vector_load %arg8[%swap3A_427, %swap3A_428] {strides = array<i32>} : memref<4x128xi32, #tpu.memory_space<vmem>>, vector<16xi32>,
    tpu.vector_store %arg8[%swap3A_427, %swap3A_428], %add3A_425 {strides = array<i32>} : memref<4x128xi32, #tpu.memory_space<vmem>>, vector<16xi32>,
    %dma_start3A_430 = arith.constant 3 : i32
    %dma_start3A_431 = arith.constant 3 : i32
    %dma_start3A_432 = arith.constant 384 : i32
    %dma_start3A_433 = arith.constant 0 : i32
    %dma_start3A_434 = tpu.memref_slice %arg9[%dma_start3A_432, %dma_start3A_433] : memref<512x64xf32, #tpu.memory_space<vmem>> -> memref<128x64xf32, #tpu.memory_space<vmem>>
    %dma_start3A_435 = arith.constant 0 : i32
    %dma_start3A_436 = tpu.memref_slice %arg8[%dma_start3A_430, %dma_start3A_435] : memref<4x128xi32, #tpu.memory_space<vmem>> -> memref<1x128xi32, #tpu.memory_space<vmem>>
    %dma_start3A_437 = tpu.memref_squeeze %dma_start3A_436 : memref<1x128xi32, #tpu.memory_space<vmem>> -> memref<128xi32, #tpu.memory_space<vmem>>
    %dma_start3A_438 = arith.constant 0 : i32
    %dma_start3A_439 = arith.constant 0 : i32
    %dma_start3A_440 = tpu.memref_slice %arg4[%dma_start3A_438, %dma_start3A_439] : memref<2048x64xf32, #tpu.memory_space<hbm>> -> memref<2048x64xf32, #tpu.memory_space<hbm>>
    %dma_start3A_441 = tpu.memref_slice %arg12[%dma_start3A_431] : memref<4x!tpu.dma_semaphore, #tpu.memory_space<semaphore_mem>> -> memref<1x!tpu.dma_semaphore, #tpu.memory_space<semaphore_mem>>
    %dma_start3A_442 = tpu.memref_squeeze %dma_start3A_441 : memref<1x!tpu.dma_semaphore, #tpu.memory_space<semaphore_mem>> -> memref<!tpu.dma_semaphore, #tpu.memory_space<semaphore_mem>>
    tpu.enqueue_indirect_dma source(%dma_start3A_440 : memref<2048x64xf32, #tpu.memory_space<hbm>>) target(%dma_start3A_434 : memref<128x64xf32, #tpu.memory_space<vmem>>) offsets(%dma_start3A_437 : memref<128xi32, #tpu.memory_space<vmem>>) semaphore(%dma_start3A_442 : memref<!tpu.dma_semaphore, #tpu.memory_space<semaphore_mem>>)
    %dma_wait3A_443 = arith.constant 0 : i32
    %dma_wait3A_444 = arith.constant 0 : i32
    %dma_wait3A_445 = arith.constant 0 : i32
    %dma_wait3A_446 = arith.constant 0 : i32
    %dma_wait3A_447 = tpu.memref_slice %arg9[%dma_wait3A_445, %dma_wait3A_446] : memref<512x64xf32, #tpu.memory_space<vmem>> -> memref<128x64xf32, #tpu.memory_space<vmem>>
    %dma_wait3A_448 = arith.constant 0 : i32
    %dma_wait3A_449 = tpu.memref_slice %arg8[%dma_wait3A_443, %dma_wait3A_448] : memref<4x128xi32, #tpu.memory_space<vmem>> -> memref<1x128xi32, #tpu.memory_space<vmem>>
    %dma_wait3A_450 = tpu.memref_squeeze %dma_wait3A_449 : memref<1x128xi32, #tpu.memory_space<vmem>> -> memref<128xi32, #tpu.memory_space<vmem>>
    %dma_wait3A_451 = arith.constant 0 : i32
    %dma_wait3A_452 = arith.constant 0 : i32
    %dma_wait3A_453 = tpu.memref_slice %arg4[%dma_wait3A_451, %dma_wait3A_452] : memref<2048x64xf32, #tpu.memory_space<hbm>> -> memref<2048x64xf32, #tpu.memory_space<hbm>>
    %dma_wait3A_454 = tpu.memref_slice %arg12[%dma_wait3A_444] : memref<4x!tpu.dma_semaphore, #tpu.memory_space<semaphore_mem>> -> memref<1x!tpu.dma_semaphore, #tpu.memory_space<semaphore_mem>>
    %dma_wait3A_455 = tpu.memref_squeeze %dma_wait3A_454 : memref<1x!tpu.dma_semaphore, #tpu.memory_space<semaphore_mem>> -> memref<!tpu.dma_semaphore, #tpu.memory_space<semaphore_mem>>
    tpu.wait_indirect_dma semaphore(%dma_wait3A_455 : memref<!tpu.dma_semaphore, #tpu.memory_space<semaphore_mem>>) src(%dma_wait3A_453 : memref<2048x64xf32, #tpu.memory_space<hbm>>) dst(%dma_wait3A_447 : memref<128x64xf32, #tpu.memory_space<vmem>>)
    %parallel_loop3A = arith.constant 0 : i32
    %parallel_loop3A_456 = arith.constant 8 : i32
    %parallel_loop3A_457 = arith.constant 1 : i32
    scf.for %parallel_loop3A_594 = %parallel_loop3A to %parallel_loop3A_456 step %parallel_loop3A_457  : i32 {
      %parallel_loop3A_595 = arith.constant 16 : i32
      %parallel_loop3A_596 = arith.muli %parallel_loop3A_594, %parallel_loop3A_595 : i32
      %parallel_loop3A_597 = arith.constant 0 : i32
      %parallel_loop3A_598 = arith.addi %parallel_loop3A_597, %parallel_loop3A_596 : i32
      %parallel_loop3A_599 = vector.broadcast %parallel_loop3A_598 : i32 to vector<16xi32>
      %parallel_loop3A_600 = arith.addi %parallel_loop3A_599, %iota3A : vector<16xi32>
      %parallel_loop3A_601 = vector.broadcast %parallel_loop3A_598 : i32 to vector<16xi32>
      %parallel_loop3A_602 = arith.addi %parallel_loop3A_601, %iota3A : vector<16xi32>
      %parallel_loop3A_603 = arith.constant 0 : i32
      %parallel_loop3A_604 = arith.constant 16 : i32
      %parallel_loop3A_605 = arith.constant 1 : i32
      scf.for %parallel_loop3A_606 = %parallel_loop3A_603 to %parallel_loop3A_604 step %parallel_loop3A_605  : i32 {
        %parallel_loop3A_607 = vector.broadcast %parallel_loop3A_606 : i32 to vector<16xi32>
        %parallel_loop3A_608 = arith.addi %iota3A, %parallel_loop3A_607 : vector<16xi32>
        %parallel_loop3A_609 = arith.constant 15 : i32
        %parallel_loop3A_610 = vector.broadcast %parallel_loop3A_609 : i32 to vector<16xi32>
        %parallel_loop3A_611 = arith.andi %parallel_loop3A_608, %parallel_loop3A_610 : vector<16xi32>
        %parallel_loop3A_612 = arith.constant 0 : i32
        %parallel_loop3A_613 = vector.broadcast %parallel_loop3A_612 : i32 to vector<16xi32>
        %parallel_loop3A_614 = arith.addi %parallel_loop3A_613, %parallel_loop3A_611 : vector<16xi32>
        %parallel_loop3A_615 = tpu.vector_load_idx %arg9[%parallel_loop3A_600, %parallel_loop3A_614] : memref<512x64xf32, #tpu.memory_space<vmem>>[vector<16xi32>, vector<16xi32>], vector<16xf32>,
        tpu.vector_store_idx %arg10[%parallel_loop3A_614, %parallel_loop3A_602], %parallel_loop3A_615 : memref<64x512xf32, #tpu.memory_space<vmem>>[vector<16xi32>, vector<16xi32>], vector<16xf32>,
        %parallel_loop3A_616 = arith.constant 16 : i32
        %parallel_loop3A_617 = vector.broadcast %parallel_loop3A_616 : i32 to vector<16xi32>
        %parallel_loop3A_618 = arith.addi %parallel_loop3A_617, %parallel_loop3A_611 : vector<16xi32>
        %parallel_loop3A_619 = tpu.vector_load_idx %arg9[%parallel_loop3A_600, %parallel_loop3A_618] : memref<512x64xf32, #tpu.memory_space<vmem>>[vector<16xi32>, vector<16xi32>], vector<16xf32>,
        tpu.vector_store_idx %arg10[%parallel_loop3A_618, %parallel_loop3A_602], %parallel_loop3A_619 : memref<64x512xf32, #tpu.memory_space<vmem>>[vector<16xi32>, vector<16xi32>], vector<16xf32>,
        %parallel_loop3A_620 = arith.constant 32 : i32
        %parallel_loop3A_621 = vector.broadcast %parallel_loop3A_620 : i32 to vector<16xi32>
        %parallel_loop3A_622 = arith.addi %parallel_loop3A_621, %parallel_loop3A_611 : vector<16xi32>
        %parallel_loop3A_623 = tpu.vector_load_idx %arg9[%parallel_loop3A_600, %parallel_loop3A_622] : memref<512x64xf32, #tpu.memory_space<vmem>>[vector<16xi32>, vector<16xi32>], vector<16xf32>,
        tpu.vector_store_idx %arg10[%parallel_loop3A_622, %parallel_loop3A_602], %parallel_loop3A_623 : memref<64x512xf32, #tpu.memory_space<vmem>>[vector<16xi32>, vector<16xi32>], vector<16xf32>,
        %parallel_loop3A_624 = arith.constant 48 : i32
        %parallel_loop3A_625 = vector.broadcast %parallel_loop3A_624 : i32 to vector<16xi32>
        %parallel_loop3A_626 = arith.addi %parallel_loop3A_625, %parallel_loop3A_611 : vector<16xi32>
        %parallel_loop3A_627 = tpu.vector_load_idx %arg9[%parallel_loop3A_600, %parallel_loop3A_626] : memref<512x64xf32, #tpu.memory_space<vmem>>[vector<16xi32>, vector<16xi32>], vector<16xf32>,
        tpu.vector_store_idx %arg10[%parallel_loop3A_626, %parallel_loop3A_602], %parallel_loop3A_627 : memref<64x512xf32, #tpu.memory_space<vmem>>[vector<16xi32>, vector<16xi32>], vector<16xf32>,
      } {sc.loop_unroll_factor = 2 : i64, sc.parallel_access}
    } {sc.loop_unroll_factor = 1 : i64, sc.parallel_access}
    %add3A_458 = arith.constant 0 : i32
    %add3A_459 = arith.addi %mul3A_2, %add3A_458 : i32
    %dma_start3A_460 = arith.constant 0 : i32
    %dma_start3A_461 = arith.constant 0 : i32
    %dma_start3A_462 = tpu.memref_slice %arg10[%dma_start3A_460, %dma_start3A_461] : memref<64x512xf32, #tpu.memory_space<vmem>> -> memref<64x128xf32, #tpu.memory_space<vmem>>
    %dma_start3A_463 = arith.constant 0 : i32
    %dma_start3A_464 = tpu.memref_slice %arg5[%dma_start3A_463, %add3A_459] : memref<64x16384xf32, #tpu.memory_space<hbm>> -> memref<64x128xf32, #tpu.memory_space<hbm>>
    %dma_start3A_465 = arith.constant 0 : i32
    %dma_start3A_466 = tpu.memref_slice %arg5[%dma_start3A_465, %add3A_459] : memref<64x16384xf32, #tpu.memory_space<hbm>> -> memref<64x128xf32, #tpu.memory_space<hbm>>
    %dma_start3A_467 = arith.constant 0 : i32
    %dma_start3A_468 = arith.constant 0 : i32
    %dma_start3A_469 = tpu.memref_slice %arg10[%dma_start3A_467, %dma_start3A_468] : memref<64x512xf32, #tpu.memory_space<vmem>> -> memref<64x128xf32, #tpu.memory_space<vmem>>
    tpu.enqueue_dma source(%dma_start3A_469 : memref<64x128xf32, #tpu.memory_space<vmem>>) target(%dma_start3A_466 : memref<64x128xf32, #tpu.memory_space<hbm>>) target_semaphore(%arg13 : memref<!tpu.dma_semaphore, #tpu.memory_space<semaphore_mem>>)
    %dma_wait3A_470 = arith.constant 1 : i32
    %dma_wait3A_471 = arith.constant 1 : i32
    %dma_wait3A_472 = arith.constant 128 : i32
    %dma_wait3A_473 = arith.constant 0 : i32
    %dma_wait3A_474 = tpu.memref_slice %arg9[%dma_wait3A_472, %dma_wait3A_473] : memref<512x64xf32, #tpu.memory_space<vmem>> -> memref<128x64xf32, #tpu.memory_space<vmem>>
    %dma_wait3A_475 = arith.constant 0 : i32
    %dma_wait3A_476 = tpu.memref_slice %arg8[%dma_wait3A_470, %dma_wait3A_475] : memref<4x128xi32, #tpu.memory_space<vmem>> -> memref<1x128xi32, #tpu.memory_space<vmem>>
    %dma_wait3A_477 = tpu.memref_squeeze %dma_wait3A_476 : memref<1x128xi32, #tpu.memory_space<vmem>> -> memref<128xi32, #tpu.memory_space<vmem>>
    %dma_wait3A_478 = arith.constant 0 : i32
    %dma_wait3A_479 = arith.constant 0 : i32
    %dma_wait3A_480 = tpu.memref_slice %arg4[%dma_wait3A_478, %dma_wait3A_479] : memref<2048x64xf32, #tpu.memory_space<hbm>> -> memref<2048x64xf32, #tpu.memory_space<hbm>>
    %dma_wait3A_481 = tpu.memref_slice %arg12[%dma_wait3A_471] : memref<4x!tpu.dma_semaphore, #tpu.memory_space<semaphore_mem>> -> memref<1x!tpu.dma_semaphore, #tpu.memory_space<semaphore_mem>>
    %dma_wait3A_482 = tpu.memref_squeeze %dma_wait3A_481 : memref<1x!tpu.dma_semaphore, #tpu.memory_space<semaphore_mem>> -> memref<!tpu.dma_semaphore, #tpu.memory_space<semaphore_mem>>
    tpu.wait_indirect_dma semaphore(%dma_wait3A_482 : memref<!tpu.dma_semaphore, #tpu.memory_space<semaphore_mem>>) src(%dma_wait3A_480 : memref<2048x64xf32, #tpu.memory_space<hbm>>) dst(%dma_wait3A_474 : memref<128x64xf32, #tpu.memory_space<vmem>>)
    %parallel_loop3A_483 = arith.constant 0 : i32
    %parallel_loop3A_484 = arith.constant 8 : i32
    %parallel_loop3A_485 = arith.constant 1 : i32
    scf.for %parallel_loop3A_594 = %parallel_loop3A_483 to %parallel_loop3A_484 step %parallel_loop3A_485  : i32 {
      %parallel_loop3A_595 = arith.constant 16 : i32
      %parallel_loop3A_596 = arith.muli %parallel_loop3A_594, %parallel_loop3A_595 : i32
      %parallel_loop3A_597 = arith.constant 128 : i32
      %parallel_loop3A_598 = arith.addi %parallel_loop3A_597, %parallel_loop3A_596 : i32
      %parallel_loop3A_599 = vector.broadcast %parallel_loop3A_598 : i32 to vector<16xi32>
      %parallel_loop3A_600 = arith.addi %parallel_loop3A_599, %iota3A : vector<16xi32>
      %parallel_loop3A_601 = vector.broadcast %parallel_loop3A_598 : i32 to vector<16xi32>
      %parallel_loop3A_602 = arith.addi %parallel_loop3A_601, %iota3A : vector<16xi32>
      %parallel_loop3A_603 = arith.constant 0 : i32
      %parallel_loop3A_604 = arith.constant 16 : i32
      %parallel_loop3A_605 = arith.constant 1 : i32
      scf.for %parallel_loop3A_606 = %parallel_loop3A_603 to %parallel_loop3A_604 step %parallel_loop3A_605  : i32 {
        %parallel_loop3A_607 = vector.broadcast %parallel_loop3A_606 : i32 to vector<16xi32>
        %parallel_loop3A_608 = arith.addi %iota3A, %parallel_loop3A_607 : vector<16xi32>
        %parallel_loop3A_609 = arith.constant 15 : i32
        %parallel_loop3A_610 = vector.broadcast %parallel_loop3A_609 : i32 to vector<16xi32>
        %parallel_loop3A_611 = arith.andi %parallel_loop3A_608, %parallel_loop3A_610 : vector<16xi32>
        %parallel_loop3A_612 = arith.constant 0 : i32
        %parallel_loop3A_613 = vector.broadcast %parallel_loop3A_612 : i32 to vector<16xi32>
        %parallel_loop3A_614 = arith.addi %parallel_loop3A_613, %parallel_loop3A_611 : vector<16xi32>
        %parallel_loop3A_615 = tpu.vector_load_idx %arg9[%parallel_loop3A_600, %parallel_loop3A_614] : memref<512x64xf32, #tpu.memory_space<vmem>>[vector<16xi32>, vector<16xi32>], vector<16xf32>,
        tpu.vector_store_idx %arg10[%parallel_loop3A_614, %parallel_loop3A_602], %parallel_loop3A_615 : memref<64x512xf32, #tpu.memory_space<vmem>>[vector<16xi32>, vector<16xi32>], vector<16xf32>,
        %parallel_loop3A_616 = arith.constant 16 : i32
        %parallel_loop3A_617 = vector.broadcast %parallel_loop3A_616 : i32 to vector<16xi32>
        %parallel_loop3A_618 = arith.addi %parallel_loop3A_617, %parallel_loop3A_611 : vector<16xi32>
        %parallel_loop3A_619 = tpu.vector_load_idx %arg9[%parallel_loop3A_600, %parallel_loop3A_618] : memref<512x64xf32, #tpu.memory_space<vmem>>[vector<16xi32>, vector<16xi32>], vector<16xf32>,
        tpu.vector_store_idx %arg10[%parallel_loop3A_618, %parallel_loop3A_602], %parallel_loop3A_619 : memref<64x512xf32, #tpu.memory_space<vmem>>[vector<16xi32>, vector<16xi32>], vector<16xf32>,
        %parallel_loop3A_620 = arith.constant 32 : i32
        %parallel_loop3A_621 = vector.broadcast %parallel_loop3A_620 : i32 to vector<16xi32>
        %parallel_loop3A_622 = arith.addi %parallel_loop3A_621, %parallel_loop3A_611 : vector<16xi32>
        %parallel_loop3A_623 = tpu.vector_load_idx %arg9[%parallel_loop3A_600, %parallel_loop3A_622] : memref<512x64xf32, #tpu.memory_space<vmem>>[vector<16xi32>, vector<16xi32>], vector<16xf32>,
        tpu.vector_store_idx %arg10[%parallel_loop3A_622, %parallel_loop3A_602], %parallel_loop3A_623 : memref<64x512xf32, #tpu.memory_space<vmem>>[vector<16xi32>, vector<16xi32>], vector<16xf32>,
        %parallel_loop3A_624 = arith.constant 48 : i32
        %parallel_loop3A_625 = vector.broadcast %parallel_loop3A_624 : i32 to vector<16xi32>
        %parallel_loop3A_626 = arith.addi %parallel_loop3A_625, %parallel_loop3A_611 : vector<16xi32>
        %parallel_loop3A_627 = tpu.vector_load_idx %arg9[%parallel_loop3A_600, %parallel_loop3A_626] : memref<512x64xf32, #tpu.memory_space<vmem>>[vector<16xi32>, vector<16xi32>], vector<16xf32>,
        tpu.vector_store_idx %arg10[%parallel_loop3A_626, %parallel_loop3A_602], %parallel_loop3A_627 : memref<64x512xf32, #tpu.memory_space<vmem>>[vector<16xi32>, vector<16xi32>], vector<16xf32>,
      } {sc.loop_unroll_factor = 2 : i64, sc.parallel_access}
    } {sc.loop_unroll_factor = 1 : i64, sc.parallel_access}
    %add3A_486 = arith.constant 128 : i32
    %add3A_487 = arith.addi %mul3A_2, %add3A_486 : i32
    %dma_start3A_488 = arith.constant 0 : i32
    %dma_start3A_489 = arith.constant 128 : i32
    %dma_start3A_490 = tpu.memref_slice %arg10[%dma_start3A_488, %dma_start3A_489] : memref<64x512xf32, #tpu.memory_space<vmem>> -> memref<64x128xf32, #tpu.memory_space<vmem>>
    %dma_start3A_491 = arith.constant 0 : i32
    %dma_start3A_492 = tpu.memref_slice %arg5[%dma_start3A_491, %add3A_487] : memref<64x16384xf32, #tpu.memory_space<hbm>> -> memref<64x128xf32, #tpu.memory_space<hbm>>
    %dma_start3A_493 = arith.constant 0 : i32
    %dma_start3A_494 = tpu.memref_slice %arg5[%dma_start3A_493, %add3A_487] : memref<64x16384xf32, #tpu.memory_space<hbm>> -> memref<64x128xf32, #tpu.memory_space<hbm>>
    %dma_start3A_495 = arith.constant 0 : i32
    %dma_start3A_496 = arith.constant 128 : i32
    %dma_start3A_497 = tpu.memref_slice %arg10[%dma_start3A_495, %dma_start3A_496] : memref<64x512xf32, #tpu.memory_space<vmem>> -> memref<64x128xf32, #tpu.memory_space<vmem>>
    tpu.enqueue_dma source(%dma_start3A_497 : memref<64x128xf32, #tpu.memory_space<vmem>>) target(%dma_start3A_494 : memref<64x128xf32, #tpu.memory_space<hbm>>) target_semaphore(%arg13 : memref<!tpu.dma_semaphore, #tpu.memory_space<semaphore_mem>>)
    %dma_wait3A_498 = arith.constant 2 : i32
    %dma_wait3A_499 = arith.constant 2 : i32
    %dma_wait3A_500 = arith.constant 256 : i32
    %dma_wait3A_501 = arith.constant 0 : i32
    %dma_wait3A_502 = tpu.memref_slice %arg9[%dma_wait3A_500, %dma_wait3A_501] : memref<512x64xf32, #tpu.memory_space<vmem>> -> memref<128x64xf32, #tpu.memory_space<vmem>>
    %dma_wait3A_503 = arith.constant 0 : i32
    %dma_wait3A_504 = tpu.memref_slice %arg8[%dma_wait3A_498, %dma_wait3A_503] : memref<4x128xi32, #tpu.memory_space<vmem>> -> memref<1x128xi32, #tpu.memory_space<vmem>>
    %dma_wait3A_505 = tpu.memref_squeeze %dma_wait3A_504 : memref<1x128xi32, #tpu.memory_space<vmem>> -> memref<128xi32, #tpu.memory_space<vmem>>
    %dma_wait3A_506 = arith.constant 0 : i32
    %dma_wait3A_507 = arith.constant 0 : i32
    %dma_wait3A_508 = tpu.memref_slice %arg4[%dma_wait3A_506, %dma_wait3A_507] : memref<2048x64xf32, #tpu.memory_space<hbm>> -> memref<2048x64xf32, #tpu.memory_space<hbm>>
    %dma_wait3A_509 = tpu.memref_slice %arg12[%dma_wait3A_499] : memref<4x!tpu.dma_semaphore, #tpu.memory_space<semaphore_mem>> -> memref<1x!tpu.dma_semaphore, #tpu.memory_space<semaphore_mem>>
    %dma_wait3A_510 = tpu.memref_squeeze %dma_wait3A_509 : memref<1x!tpu.dma_semaphore, #tpu.memory_space<semaphore_mem>> -> memref<!tpu.dma_semaphore, #tpu.memory_space<semaphore_mem>>
    tpu.wait_indirect_dma semaphore(%dma_wait3A_510 : memref<!tpu.dma_semaphore, #tpu.memory_space<semaphore_mem>>) src(%dma_wait3A_508 : memref<2048x64xf32, #tpu.memory_space<hbm>>) dst(%dma_wait3A_502 : memref<128x64xf32, #tpu.memory_space<vmem>>)
    %parallel_loop3A_511 = arith.constant 0 : i32
    %parallel_loop3A_512 = arith.constant 8 : i32
    %parallel_loop3A_513 = arith.constant 1 : i32
    scf.for %parallel_loop3A_594 = %parallel_loop3A_511 to %parallel_loop3A_512 step %parallel_loop3A_513  : i32 {
      %parallel_loop3A_595 = arith.constant 16 : i32
      %parallel_loop3A_596 = arith.muli %parallel_loop3A_594, %parallel_loop3A_595 : i32
      %parallel_loop3A_597 = arith.constant 256 : i32
      %parallel_loop3A_598 = arith.addi %parallel_loop3A_597, %parallel_loop3A_596 : i32
      %parallel_loop3A_599 = vector.broadcast %parallel_loop3A_598 : i32 to vector<16xi32>
      %parallel_loop3A_600 = arith.addi %parallel_loop3A_599, %iota3A : vector<16xi32>
      %parallel_loop3A_601 = vector.broadcast %parallel_loop3A_598 : i32 to vector<16xi32>
      %parallel_loop3A_602 = arith.addi %parallel_loop3A_601, %iota3A : vector<16xi32>
      %parallel_loop3A_603 = arith.constant 0 : i32
      %parallel_loop3A_604 = arith.constant 16 : i32
      %parallel_loop3A_605 = arith.constant 1 : i32
      scf.for %parallel_loop3A_606 = %parallel_loop3A_603 to %parallel_loop3A_604 step %parallel_loop3A_605  : i32 {
        %parallel_loop3A_607 = vector.broadcast %parallel_loop3A_606 : i32 to vector<16xi32>
        %parallel_loop3A_608 = arith.addi %iota3A, %parallel_loop3A_607 : vector<16xi32>
        %parallel_loop3A_609 = arith.constant 15 : i32
        %parallel_loop3A_610 = vector.broadcast %parallel_loop3A_609 : i32 to vector<16xi32>
        %parallel_loop3A_611 = arith.andi %parallel_loop3A_608, %parallel_loop3A_610 : vector<16xi32>
        %parallel_loop3A_612 = arith.constant 0 : i32
        %parallel_loop3A_613 = vector.broadcast %parallel_loop3A_612 : i32 to vector<16xi32>
        %parallel_loop3A_614 = arith.addi %parallel_loop3A_613, %parallel_loop3A_611 : vector<16xi32>
        %parallel_loop3A_615 = tpu.vector_load_idx %arg9[%parallel_loop3A_600, %parallel_loop3A_614] : memref<512x64xf32, #tpu.memory_space<vmem>>[vector<16xi32>, vector<16xi32>], vector<16xf32>,
        tpu.vector_store_idx %arg10[%parallel_loop3A_614, %parallel_loop3A_602], %parallel_loop3A_615 : memref<64x512xf32, #tpu.memory_space<vmem>>[vector<16xi32>, vector<16xi32>], vector<16xf32>,
        %parallel_loop3A_616 = arith.constant 16 : i32
        %parallel_loop3A_617 = vector.broadcast %parallel_loop3A_616 : i32 to vector<16xi32>
        %parallel_loop3A_618 = arith.addi %parallel_loop3A_617, %parallel_loop3A_611 : vector<16xi32>
        %parallel_loop3A_619 = tpu.vector_load_idx %arg9[%parallel_loop3A_600, %parallel_loop3A_618] : memref<512x64xf32, #tpu.memory_space<vmem>>[vector<16xi32>, vector<16xi32>], vector<16xf32>,
        tpu.vector_store_idx %arg10[%parallel_loop3A_618, %parallel_loop3A_602], %parallel_loop3A_619 : memref<64x512xf32, #tpu.memory_space<vmem>>[vector<16xi32>, vector<16xi32>], vector<16xf32>,
        %parallel_loop3A_620 = arith.constant 32 : i32
        %parallel_loop3A_621 = vector.broadcast %parallel_loop3A_620 : i32 to vector<16xi32>
        %parallel_loop3A_622 = arith.addi %parallel_loop3A_621, %parallel_loop3A_611 : vector<16xi32>
        %parallel_loop3A_623 = tpu.vector_load_idx %arg9[%parallel_loop3A_600, %parallel_loop3A_622] : memref<512x64xf32, #tpu.memory_space<vmem>>[vector<16xi32>, vector<16xi32>], vector<16xf32>,
        tpu.vector_store_idx %arg10[%parallel_loop3A_622, %parallel_loop3A_602], %parallel_loop3A_623 : memref<64x512xf32, #tpu.memory_space<vmem>>[vector<16xi32>, vector<16xi32>], vector<16xf32>,
        %parallel_loop3A_624 = arith.constant 48 : i32
        %parallel_loop3A_625 = vector.broadcast %parallel_loop3A_624 : i32 to vector<16xi32>
        %parallel_loop3A_626 = arith.addi %parallel_loop3A_625, %parallel_loop3A_611 : vector<16xi32>
        %parallel_loop3A_627 = tpu.vector_load_idx %arg9[%parallel_loop3A_600, %parallel_loop3A_626] : memref<512x64xf32, #tpu.memory_space<vmem>>[vector<16xi32>, vector<16xi32>], vector<16xf32>,
        tpu.vector_store_idx %arg10[%parallel_loop3A_626, %parallel_loop3A_602], %parallel_loop3A_627 : memref<64x512xf32, #tpu.memory_space<vmem>>[vector<16xi32>, vector<16xi32>], vector<16xf32>,
      } {sc.loop_unroll_factor = 2 : i64, sc.parallel_access}
    } {sc.loop_unroll_factor = 1 : i64, sc.parallel_access}
    %add3A_514 = arith.constant 256 : i32
    %add3A_515 = arith.addi %mul3A_2, %add3A_514 : i32
    %dma_start3A_516 = arith.constant 0 : i32
    %dma_start3A_517 = arith.constant 256 : i32
    %dma_start3A_518 = tpu.memref_slice %arg10[%dma_start3A_516, %dma_start3A_517] : memref<64x512xf32, #tpu.memory_space<vmem>> -> memref<64x128xf32, #tpu.memory_space<vmem>>
    %dma_start3A_519 = arith.constant 0 : i32
    %dma_start3A_520 = tpu.memref_slice %arg5[%dma_start3A_519, %add3A_515] : memref<64x16384xf32, #tpu.memory_space<hbm>> -> memref<64x128xf32, #tpu.memory_space<hbm>>
    %dma_start3A_521 = arith.constant 0 : i32
    %dma_start3A_522 = tpu.memref_slice %arg5[%dma_start3A_521, %add3A_515] : memref<64x16384xf32, #tpu.memory_space<hbm>> -> memref<64x128xf32, #tpu.memory_space<hbm>>
    %dma_start3A_523 = arith.constant 0 : i32
    %dma_start3A_524 = arith.constant 256 : i32
    %dma_start3A_525 = tpu.memref_slice %arg10[%dma_start3A_523, %dma_start3A_524] : memref<64x512xf32, #tpu.memory_space<vmem>> -> memref<64x128xf32, #tpu.memory_space<vmem>>
    tpu.enqueue_dma source(%dma_start3A_525 : memref<64x128xf32, #tpu.memory_space<vmem>>) target(%dma_start3A_522 : memref<64x128xf32, #tpu.memory_space<hbm>>) target_semaphore(%arg13 : memref<!tpu.dma_semaphore, #tpu.memory_space<semaphore_mem>>)
    %dma_wait3A_526 = arith.constant 3 : i32
    %dma_wait3A_527 = arith.constant 3 : i32
    %dma_wait3A_528 = arith.constant 384 : i32
    %dma_wait3A_529 = arith.constant 0 : i32
    %dma_wait3A_530 = tpu.memref_slice %arg9[%dma_wait3A_528, %dma_wait3A_529] : memref<512x64xf32, #tpu.memory_space<vmem>> -> memref<128x64xf32, #tpu.memory_space<vmem>>
    %dma_wait3A_531 = arith.constant 0 : i32
    %dma_wait3A_532 = tpu.memref_slice %arg8[%dma_wait3A_526, %dma_wait3A_531] : memref<4x128xi32, #tpu.memory_space<vmem>> -> memref<1x128xi32, #tpu.memory_space<vmem>>
    %dma_wait3A_533 = tpu.memref_squeeze %dma_wait3A_532 : memref<1x128xi32, #tpu.memory_space<vmem>> -> memref<128xi32, #tpu.memory_space<vmem>>
    %dma_wait3A_534 = arith.constant 0 : i32
    %dma_wait3A_535 = arith.constant 0 : i32
    %dma_wait3A_536 = tpu.memref_slice %arg4[%dma_wait3A_534, %dma_wait3A_535] : memref<2048x64xf32, #tpu.memory_space<hbm>> -> memref<2048x64xf32, #tpu.memory_space<hbm>>
    %dma_wait3A_537 = tpu.memref_slice %arg12[%dma_wait3A_527] : memref<4x!tpu.dma_semaphore, #tpu.memory_space<semaphore_mem>> -> memref<1x!tpu.dma_semaphore, #tpu.memory_space<semaphore_mem>>
    %dma_wait3A_538 = tpu.memref_squeeze %dma_wait3A_537 : memref<1x!tpu.dma_semaphore, #tpu.memory_space<semaphore_mem>> -> memref<!tpu.dma_semaphore, #tpu.memory_space<semaphore_mem>>
    tpu.wait_indirect_dma semaphore(%dma_wait3A_538 : memref<!tpu.dma_semaphore, #tpu.memory_space<semaphore_mem>>) src(%dma_wait3A_536 : memref<2048x64xf32, #tpu.memory_space<hbm>>) dst(%dma_wait3A_530 : memref<128x64xf32, #tpu.memory_space<vmem>>)
    %parallel_loop3A_539 = arith.constant 0 : i32
    %parallel_loop3A_540 = arith.constant 8 : i32
    %parallel_loop3A_541 = arith.constant 1 : i32
    scf.for %parallel_loop3A_594 = %parallel_loop3A_539 to %parallel_loop3A_540 step %parallel_loop3A_541  : i32 {
      %parallel_loop3A_595 = arith.constant 16 : i32
      %parallel_loop3A_596 = arith.muli %parallel_loop3A_594, %parallel_loop3A_595 : i32
      %parallel_loop3A_597 = arith.constant 384 : i32
      %parallel_loop3A_598 = arith.addi %parallel_loop3A_597, %parallel_loop3A_596 : i32
      %parallel_loop3A_599 = vector.broadcast %parallel_loop3A_598 : i32 to vector<16xi32>
      %parallel_loop3A_600 = arith.addi %parallel_loop3A_599, %iota3A : vector<16xi32>
      %parallel_loop3A_601 = vector.broadcast %parallel_loop3A_598 : i32 to vector<16xi32>
      %parallel_loop3A_602 = arith.addi %parallel_loop3A_601, %iota3A : vector<16xi32>
      %parallel_loop3A_603 = arith.constant 0 : i32
      %parallel_loop3A_604 = arith.constant 16 : i32
      %parallel_loop3A_605 = arith.constant 1 : i32
      scf.for %parallel_loop3A_606 = %parallel_loop3A_603 to %parallel_loop3A_604 step %parallel_loop3A_605  : i32 {
        %parallel_loop3A_607 = vector.broadcast %parallel_loop3A_606 : i32 to vector<16xi32>
        %parallel_loop3A_608 = arith.addi %iota3A, %parallel_loop3A_607 : vector<16xi32>
        %parallel_loop3A_609 = arith.constant 15 : i32
        %parallel_loop3A_610 = vector.broadcast %parallel_loop3A_609 : i32 to vector<16xi32>
        %parallel_loop3A_611 = arith.andi %parallel_loop3A_608, %parallel_loop3A_610 : vector<16xi32>
        %parallel_loop3A_612 = arith.constant 0 : i32
        %parallel_loop3A_613 = vector.broadcast %parallel_loop3A_612 : i32 to vector<16xi32>
        %parallel_loop3A_614 = arith.addi %parallel_loop3A_613, %parallel_loop3A_611 : vector<16xi32>
        %parallel_loop3A_615 = tpu.vector_load_idx %arg9[%parallel_loop3A_600, %parallel_loop3A_614] : memref<512x64xf32, #tpu.memory_space<vmem>>[vector<16xi32>, vector<16xi32>], vector<16xf32>,
        tpu.vector_store_idx %arg10[%parallel_loop3A_614, %parallel_loop3A_602], %parallel_loop3A_615 : memref<64x512xf32, #tpu.memory_space<vmem>>[vector<16xi32>, vector<16xi32>], vector<16xf32>,
        %parallel_loop3A_616 = arith.constant 16 : i32
        %parallel_loop3A_617 = vector.broadcast %parallel_loop3A_616 : i32 to vector<16xi32>
        %parallel_loop3A_618 = arith.addi %parallel_loop3A_617, %parallel_loop3A_611 : vector<16xi32>
        %parallel_loop3A_619 = tpu.vector_load_idx %arg9[%parallel_loop3A_600, %parallel_loop3A_618] : memref<512x64xf32, #tpu.memory_space<vmem>>[vector<16xi32>, vector<16xi32>], vector<16xf32>,
        tpu.vector_store_idx %arg10[%parallel_loop3A_618, %parallel_loop3A_602], %parallel_loop3A_619 : memref<64x512xf32, #tpu.memory_space<vmem>>[vector<16xi32>, vector<16xi32>], vector<16xf32>,
        %parallel_loop3A_620 = arith.constant 32 : i32
        %parallel_loop3A_621 = vector.broadcast %parallel_loop3A_620 : i32 to vector<16xi32>
        %parallel_loop3A_622 = arith.addi %parallel_loop3A_621, %parallel_loop3A_611 : vector<16xi32>
        %parallel_loop3A_623 = tpu.vector_load_idx %arg9[%parallel_loop3A_600, %parallel_loop3A_622] : memref<512x64xf32, #tpu.memory_space<vmem>>[vector<16xi32>, vector<16xi32>], vector<16xf32>,
        tpu.vector_store_idx %arg10[%parallel_loop3A_622, %parallel_loop3A_602], %parallel_loop3A_623 : memref<64x512xf32, #tpu.memory_space<vmem>>[vector<16xi32>, vector<16xi32>], vector<16xf32>,
        %parallel_loop3A_624 = arith.constant 48 : i32
        %parallel_loop3A_625 = vector.broadcast %parallel_loop3A_624 : i32 to vector<16xi32>
        %parallel_loop3A_626 = arith.addi %parallel_loop3A_625, %parallel_loop3A_611 : vector<16xi32>
        %parallel_loop3A_627 = tpu.vector_load_idx %arg9[%parallel_loop3A_600, %parallel_loop3A_626] : memref<512x64xf32, #tpu.memory_space<vmem>>[vector<16xi32>, vector<16xi32>], vector<16xf32>,
        tpu.vector_store_idx %arg10[%parallel_loop3A_626, %parallel_loop3A_602], %parallel_loop3A_627 : memref<64x512xf32, #tpu.memory_space<vmem>>[vector<16xi32>, vector<16xi32>], vector<16xf32>,
      } {sc.loop_unroll_factor = 2 : i64, sc.parallel_access}
    } {sc.loop_unroll_factor = 1 : i64, sc.parallel_access}
    %add3A_542 = arith.constant 384 : i32
    %add3A_543 = arith.addi %mul3A_2, %add3A_542 : i32
    %dma_start3A_544 = arith.constant 0 : i32
    %dma_start3A_545 = arith.constant 384 : i32
    %dma_start3A_546 = tpu.memref_slice %arg10[%dma_start3A_544, %dma_start3A_545] : memref<64x512xf32, #tpu.memory_space<vmem>> -> memref<64x128xf32, #tpu.memory_space<vmem>>
    %dma_start3A_547 = arith.constant 0 : i32
    %dma_start3A_548 = tpu.memref_slice %arg5[%dma_start3A_547, %add3A_543] : memref<64x16384xf32, #tpu.memory_space<hbm>> -> memref<64x128xf32, #tpu.memory_space<hbm>>
    %dma_start3A_549 = arith.constant 0 : i32
    %dma_start3A_550 = tpu.memref_slice %arg5[%dma_start3A_549, %add3A_543] : memref<64x16384xf32, #tpu.memory_space<hbm>> -> memref<64x128xf32, #tpu.memory_space<hbm>>
    %dma_start3A_551 = arith.constant 0 : i32
    %dma_start3A_552 = arith.constant 384 : i32
    %dma_start3A_553 = tpu.memref_slice %arg10[%dma_start3A_551, %dma_start3A_552] : memref<64x512xf32, #tpu.memory_space<vmem>> -> memref<64x128xf32, #tpu.memory_space<vmem>>
    tpu.enqueue_dma source(%dma_start3A_553 : memref<64x128xf32, #tpu.memory_space<vmem>>) target(%dma_start3A_550 : memref<64x128xf32, #tpu.memory_space<hbm>>) target_semaphore(%arg13 : memref<!tpu.dma_semaphore, #tpu.memory_space<semaphore_mem>>)
    %dma_wait3A_554 = arith.constant 0 : i32
    %dma_wait3A_555 = arith.constant 0 : i32
    %dma_wait3A_556 = tpu.memref_slice %arg10[%dma_wait3A_554, %dma_wait3A_555] : memref<64x512xf32, #tpu.memory_space<vmem>> -> memref<64x128xf32, #tpu.memory_space<vmem>>
    %dma_wait3A_557 = arith.constant 0 : i32
    %dma_wait3A_558 = tpu.memref_slice %arg5[%dma_wait3A_557, %add3A_459] : memref<64x16384xf32, #tpu.memory_space<hbm>> -> memref<64x128xf32, #tpu.memory_space<hbm>>
    %dma_wait3A_559 = arith.constant 0 : i32
    %dma_wait3A_560 = tpu.memref_slice %arg5[%dma_wait3A_559, %add3A_459] : memref<64x16384xf32, #tpu.memory_space<hbm>> -> memref<64x128xf32, #tpu.memory_space<hbm>>
    %dma_wait3A_561 = arith.constant 0 : i32
    %dma_wait3A_562 = arith.constant 0 : i32
    %dma_wait3A_563 = tpu.memref_slice %arg10[%dma_wait3A_561, %dma_wait3A_562] : memref<64x512xf32, #tpu.memory_space<vmem>> -> memref<64x128xf32, #tpu.memory_space<vmem>>
    tpu.wait_dma2 semaphore(%arg13 : memref<!tpu.dma_semaphore, #tpu.memory_space<semaphore_mem>>) src(%dma_wait3A_563 : memref<64x128xf32, #tpu.memory_space<vmem>>) dst(%dma_wait3A_560 : memref<64x128xf32, #tpu.memory_space<hbm>>)
    %dma_wait3A_564 = arith.constant 0 : i32
    %dma_wait3A_565 = arith.constant 128 : i32
    %dma_wait3A_566 = tpu.memref_slice %arg10[%dma_wait3A_564, %dma_wait3A_565] : memref<64x512xf32, #tpu.memory_space<vmem>> -> memref<64x128xf32, #tpu.memory_space<vmem>>
    %dma_wait3A_567 = arith.constant 0 : i32
    %dma_wait3A_568 = tpu.memref_slice %arg5[%dma_wait3A_567, %add3A_487] : memref<64x16384xf32, #tpu.memory_space<hbm>> -> memref<64x128xf32, #tpu.memory_space<hbm>>
    %dma_wait3A_569 = arith.constant 0 : i32
    %dma_wait3A_570 = tpu.memref_slice %arg5[%dma_wait3A_569, %add3A_487] : memref<64x16384xf32, #tpu.memory_space<hbm>> -> memref<64x128xf32, #tpu.memory_space<hbm>>
    %dma_wait3A_571 = arith.constant 0 : i32
    %dma_wait3A_572 = arith.constant 128 : i32
    %dma_wait3A_573 = tpu.memref_slice %arg10[%dma_wait3A_571, %dma_wait3A_572] : memref<64x512xf32, #tpu.memory_space<vmem>> -> memref<64x128xf32, #tpu.memory_space<vmem>>
    tpu.wait_dma2 semaphore(%arg13 : memref<!tpu.dma_semaphore, #tpu.memory_space<semaphore_mem>>) src(%dma_wait3A_573 : memref<64x128xf32, #tpu.memory_space<vmem>>) dst(%dma_wait3A_570 : memref<64x128xf32, #tpu.memory_space<hbm>>)
    %dma_wait3A_574 = arith.constant 0 : i32
    %dma_wait3A_575 = arith.constant 256 : i32
    %dma_wait3A_576 = tpu.memref_slice %arg10[%dma_wait3A_574, %dma_wait3A_575] : memref<64x512xf32, #tpu.memory_space<vmem>> -> memref<64x128xf32, #tpu.memory_space<vmem>>
    %dma_wait3A_577 = arith.constant 0 : i32
    %dma_wait3A_578 = tpu.memref_slice %arg5[%dma_wait3A_577, %add3A_515] : memref<64x16384xf32, #tpu.memory_space<hbm>> -> memref<64x128xf32, #tpu.memory_space<hbm>>
    %dma_wait3A_579 = arith.constant 0 : i32
    %dma_wait3A_580 = tpu.memref_slice %arg5[%dma_wait3A_579, %add3A_515] : memref<64x16384xf32, #tpu.memory_space<hbm>> -> memref<64x128xf32, #tpu.memory_space<hbm>>
    %dma_wait3A_581 = arith.constant 0 : i32
    %dma_wait3A_582 = arith.constant 256 : i32
    %dma_wait3A_583 = tpu.memref_slice %arg10[%dma_wait3A_581, %dma_wait3A_582] : memref<64x512xf32, #tpu.memory_space<vmem>> -> memref<64x128xf32, #tpu.memory_space<vmem>>
    tpu.wait_dma2 semaphore(%arg13 : memref<!tpu.dma_semaphore, #tpu.memory_space<semaphore_mem>>) src(%dma_wait3A_583 : memref<64x128xf32, #tpu.memory_space<vmem>>) dst(%dma_wait3A_580 : memref<64x128xf32, #tpu.memory_space<hbm>>)
    %dma_wait3A_584 = arith.constant 0 : i32
    %dma_wait3A_585 = arith.constant 384 : i32
    %dma_wait3A_586 = tpu.memref_slice %arg10[%dma_wait3A_584, %dma_wait3A_585] : memref<64x512xf32, #tpu.memory_space<vmem>> -> memref<64x128xf32, #tpu.memory_space<vmem>>
    %dma_wait3A_587 = arith.constant 0 : i32
    %dma_wait3A_588 = tpu.memref_slice %arg5[%dma_wait3A_587, %add3A_543] : memref<64x16384xf32, #tpu.memory_space<hbm>> -> memref<64x128xf32, #tpu.memory_space<hbm>>
    %dma_wait3A_589 = arith.constant 0 : i32
    %dma_wait3A_590 = tpu.memref_slice %arg5[%dma_wait3A_589, %add3A_543] : memref<64x16384xf32, #tpu.memory_space<hbm>> -> memref<64x128xf32, #tpu.memory_space<hbm>>
    %dma_wait3A_591 = arith.constant 0 : i32
    %dma_wait3A_592 = arith.constant 384 : i32
    %dma_wait3A_593 = tpu.memref_slice %arg10[%dma_wait3A_591, %dma_wait3A_592] : memref<64x512xf32, #tpu.memory_space<vmem>> -> memref<64x128xf32, #tpu.memory_space<vmem>>
    tpu.wait_dma2 semaphore(%arg13 : memref<!tpu.dma_semaphore, #tpu.memory_space<semaphore_mem>>) src(%dma_wait3A_593 : memref<64x128xf32, #tpu.memory_space<vmem>>) dst(%dma_wait3A_590 : memref<64x128xf32, #tpu.memory_space<hbm>>)
    return
  }
}

</mosaic_0001>

<sc_bundles>
// kernel: kernel.3.cloned.1.call-start
scs
__scs_entry_jumppad:
0x0: {  	(pc) =	sbr.rel $0x88, $3  }
0x1: {  	(tag) =	ssettag $0x0;
	lr =	simm.s32 $0x1  }
0x2: {  	[smem:$0x3F9E] =	sst lr;
	_ =	strace $0xD0000000  }
0x3: {  	_ = 	snop  }
0x4: {  	_ = 	snop  }
0x5: {  	_ = 	snop  }
0x6: {  	_ = 	snop  }
0x7: {  	_ = 	snop  }
__scs_overlays_trampoline_lowered:
0x8: {  	[smem:$0x3FAD] =	sst s0  }
0x9: {  	[smem:$0x3FAE] =	sst s1  }
0xa: {  	[smem:$0x3FAF] =	sst s2  }
0xb: {  	[smem:$0x3FB0] =	sst s3  }
0xc: {  	[smem:$0x3FB1] =	sst s4  }
0xd: {  	[smem:$0x3FB2] =	sst s5  }
0xe: {  	[smem:$0x3FB3] =	sst s6  }
0xf: {  	[smem:$0x3FB4] =	sst s7  }
0x10: {  	[smem:$0x3FB5] =	sst s8  }
0x11: {  	[smem:$0x3FB6] =	sst s9;
	s0 =	simm.s32 @!p0 $0x0  }
0x12: {  	s1 =	sld [smem:$0x3F9C];
	s0 =	simm.s32 @p0 $0x1  }
0x13: {  	[smem:$0x3FB7] =	sst s0;
	s0 =	simm.s32 @!p1 $0x0  }
0x14: {  	s2 =	sld [smem:$0x3F9B];
	s0 =	simm.s32 @p1 $0x1  }
0x15: {  	[smem:$0x3FB8] =	sst s0;
	s0 =	simm.s32 @!p2 $0x0  }
0x16: {  	s3 =	sld [smem:$0x3FDB];
	s0 =	simm.s32 @p2 $0x1  }
0x17: {  	s4 =	simm.s32 $0x1BF5;
	[smem:$0x3FBA] =	sst s0  }
0x18: {  	s0 =	sld [smem:$0x3F9D];
	_ =	swait.ge [sflag:s4], $0x0  }
0x19: {  	s7 =	sld [smem:$0x3F9E]  }
0x1a: {  	s8 =	sadd.s32 $0xFFFFE003, lr  }
0x1b: {  	s9 =	sadd.s32 $0xFFFFFEF7, lr;
	s5 =	simm.s32 $0xFFFFFFFF;
	p2 =	slt.u32 s8, $0xFFFFF086  }
0x1c: {  	p1 =	slt.u32 s9, $0xF7A;
	s5 =	simm.s32 @!p2 $0x0  }
0x1d: {  	s5 =	simm.s32 @p1 $0x1;
	p0 =	seq.s32 s7, s2  }
0x1e: {  	s7 =	smul.u32 @!p0 $0xF7A, s2;
	p2 =	seq.s32 @!p0 s5, $0x0  }
0x1f: {  	s9 =	smul.u32 $0xF7A, s1;
	s8 =	simm.s32 @!p0 $0x1BF5;
	p2 =	por !p2, p0  }
0x20: {  	[sflag:s8] =	ssyncset.s32 @!p0 $0xFFFFF086;
	s6 =	sadd.s32 @!p0 s3, s7;
	s7 =	simm.s32 @!p0 $0x108  }
0x21: {  	s3 =	sadd.s32 s3, s9;
	s6 =	sadd.s32 @!p0 $0x88, s6;
	s7 =	simm.s32 @p2 $0x1082  }
0x22: {  	[simem:s7], [sflag:s8] =	dma.local @!p0 [hbm:s6], $0xF7A  }
0x23: {  	s9 =	sor.u32 $0xD0000000, s2;
	s6 =	simm.s32 $0x108;
	_ =	swait.ge @!p0 [sflag:s8], $0x0  }
0x24: {  	s3 =	sadd.s32 $0x88, s3;
	s6 =	simm.s32 @!p1 $0x1082;
	[sflag:s4] =	ssyncset.s32 $0xFFFFF086  }
0x25: {  	[simem:s6], [sflag:s4] =	dma.local [hbm:s3], $0xF7A  }
0x26: {  	[smem:$0x3F9E] =	sst s1;
	(tag) =	ssettag s2;
	_ =	strace s9  }
0x27: {  	s1 =	sld [smem:$0x3FAE]  }
0x28: {  	s2 =	sld [smem:$0x3FAF]  }
0x29: {  	s4 =	sld [smem:$0x3FB1]  }
0x2a: {  	p0 =	seq.s32 s5, $0x0;
	s5 =	sld [smem:$0x3FB2]  }
0x2b: {  	s6 =	sld [smem:$0x3FB3]  }
0x2c: {  	s7 =	sld [smem:$0x3FB4]  }
0x2d: {  	s3 =	simm.s32 $0x108;
	s8 =	sld [smem:$0x3FB5]  }
0x2e: {  	s3 =	simm.s32 @!p0 $0x1082;
	s9 =	sld [smem:$0x3FB6]  }
0x2f: {  	lr =	sadd.s32 s0, s3;
	s0 =	sld [smem:$0x3FAD]  }
0x30: {  	s3 =	sld [smem:$0x3FB0]  }
0x31: {  	[smem:$0x3FB9] =	sst s10  }
0x32: {  	s10 =	sld [smem:$0x3FB7];
	_ =	sdelay $0x3  }
0x33: {  	p0 =	seq.s32 s10, $0x1;
	s10 =	sld [smem:$0x3FB9];
	_ =	sdelay $0x3  }
0x34: {  	[smem:$0x3FB9] =	sst s10  }
0x35: {  	s10 =	sld [smem:$0x3FB8];
	_ =	sdelay $0x3  }
0x36: {  	p1 =	seq.s32 s10, $0x1;
	s10 =	sld [smem:$0x3FB9];
	_ =	sdelay $0x3  }
0x37: {  	[smem:$0x3FB9] =	sst s10  }
0x38: {  	s10 =	sld [smem:$0x3FBA]  }
0x39: {  	_ = 	snop;
	(pc) =	sbr.ind lr, $3  }
0x3a: {  	_ = 	snop  }
0x3b: {  	_ = 	snop  }
0x3c: {  	p2 =	seq.s32 s10, $0x1;
	s10 =	sld [smem:$0x3FB9]  }
0x3d: {  	_ =	shalt  }
0x3e: {  	_ =	shalt  }
0x3f: {  	_ =	shalt  }
0x40: {  	_ =	shalt  }
0x41: {  	_ =	shalt  }
0x42: {  	_ =	shalt  }
0x43: {  	_ =	shalt  }
0x44: {  	_ =	shalt  }
0x45: {  	_ =	shalt  }
0x46: {  	_ =	shalt  }
0x47: {  	_ =	shalt  }
0x48: {  	_ =	shalt  }
0x49: {  	_ =	shalt  }
0x4a: {  	_ =	shalt  }
0x4b: {  	_ =	shalt  }
0x4c: {  	_ =	shalt  }
0x4d: {  	_ =	shalt  }
0x4e: {  	_ =	shalt  }
0x4f: {  	_ =	shalt  }
0x50: {  	_ =	shalt  }
0x51: {  	_ =	shalt  }
0x52: {  	_ =	shalt  }
0x53: {  	_ =	shalt  }
0x54: {  	_ =	shalt  }
0x55: {  	_ =	shalt  }
0x56: {  	_ =	shalt  }
0x57: {  	_ =	shalt  }
0x58: {  	_ =	shalt  }
0x59: {  	_ =	shalt  }
0x5a: {  	_ =	shalt  }
0x5b: {  	_ =	shalt  }
0x5c: {  	_ =	shalt  }
0x5d: {  	_ =	shalt  }
0x5e: {  	_ =	shalt  }
0x5f: {  	_ =	shalt  }
0x60: {  	_ =	shalt  }
0x61: {  	_ =	shalt  }
0x62: {  	_ =	shalt  }
0x63: {  	_ =	shalt  }
0x64: {  	_ =	shalt  }
0x65: {  	_ =	shalt  }
0x66: {  	_ =	shalt  }
0x67: {  	_ =	shalt  }
0x68: {  	_ =	shalt  }
0x69: {  	_ =	shalt  }
0x6a: {  	_ =	shalt  }
0x6b: {  	_ =	shalt  }
0x6c: {  	_ =	shalt  }
0x6d: {  	_ =	shalt  }
0x6e: {  	_ =	shalt  }
0x6f: {  	_ =	shalt  }
0x70: {  	_ =	shalt  }
0x71: {  	_ =	shalt  }
0x72: {  	_ =	shalt  }
0x73: {  	_ =	shalt  }
0x74: {  	_ =	shalt  }
0x75: {  	_ =	shalt  }
0x76: {  	_ =	shalt  }
0x77: {  	_ =	shalt  }
0x78: {  	_ =	shalt  }
0x79: {  	_ =	shalt  }
0x7a: {  	_ =	shalt  }
0x7b: {  	_ =	shalt  }
0x7c: {  	_ =	shalt  }
0x7d: {  	_ =	shalt  }
0x7e: {  	_ =	shalt  }
0x7f: {  	_ =	shalt  }
0x80: {  	_ =	shalt  }
0x81: {  	_ =	shalt  }
0x82: {  	_ =	shalt  }
0x83: {  	_ =	shalt  }
0x84: {  	_ =	shalt  }
0x85: {  	_ =	shalt  }
0x86: {  	_ =	shalt  }
0x87: {  	_ =	shalt  }
.Lfunc_end0:
.L_simem_size_0:
called_computation_lowered:
.L_overlay_start_0:
0x88: {  	s2 =	sld [smem:$0x3FD9]  }
0x89: {  	s3 =	sld [smem:$0x3FFE];
	_ =	sdelay $0x1  }
0x8a: {  	s1 =	srdreg.scid  }
0x8b: {  	s0 =	sand.u32 $0x1, s1  }
0x8c: {  	s17 =	sshll.u32 s0, $0xA;
	s2 =	sadd.s32 s3, s2  }
0x8d: {  	s2 =	sadd.s32 s2, s17  }
0x8e: {  	[smem:$0x3FC5] =	sst s2  }
0x8f: {  	_ = 	snop  }
0x90: {  	s2 =	sld [smem:$0x3FC9]  }
0x91: {  	s18 =	sld [smem:$0x3FC8]  }
0x92: {  	s4 =	sld [smem:$0x3FD0];
	(tm) =	ssettm $0x1  }
0x93: {  	s5 =	sld [smem:$0x3FFB];
	_ =	sdelay $0x3  }
0x94: {  	_ =	strace s5  }
0x95: {  	s5 =	sld [smem:$0x3FFC];
	_ =	sdelay $0x3  }
0x96: {  	_ =	strace s5  }
0x97: {  	s5 =	sld [smem:$0x3FFD];
	_ =	sdelay $0x3  }
0x98: {  	_ =	strace s5  }
0x99: {  	_ =	strace $0x8FFFFFFF  }
0x9a: {  	s19 =	sld [smem:$0x3FDB];
	_ =	sdelay $0x1  }
0x9b: {  	s6 =	simm.s32 $_scs_section_size  }
0x9c: {  	s7 =	simm.s32 $_size__tile_overlayer_lowered;
	s8 =	simm.s32 $_tile_overlayer_lowered  }
0x9d: {  	s22 =	simm.s32 $0x1BFF;
	s21 =	sshll.u32 s8, $0x1;
	s5 =	sadd.s32 s6, s19  }
0x9e: {  	s9 =	simm.s32 $0x0;
	s20 =	sshll.u32 s7, $0x1;
	s7 =	sadd.s32 s21, s5  }
0x9f: {  	[timem:s9], [sflag:s22] =	dma.local [hbm:s7], s20  }
0xa0: {  	_ =	swait.ge [sflag:s22], s20  }
0xa1: {  	s6 =	ssub.s32 $0x0, s20;
	[sflag:s22] =	ssyncset.done $0x0  }
0xa2: {  	[sflag:s22] =	ssyncadd.s32 s6;
	_ =	sdelay $0x1  }
0xa3: {  	s23 =	simm.s32 $0x1B8B  }
0xa4: {  	_ =	swait.ge [sflag:s23], $0x1  }
0xa5: {  	[sflag:s23] =	ssyncset.done $0x0  }
0xa6: {  	s25 =	simm.s32 $0x1B8E;
	s24 =	sld [smem:$0x3FFE];
	[sflag:s23] =	ssyncadd.s32 $0xFFFFFFFF  }
0xa7: {  	s26 =	simm.s32 $execute0_lowered;
	[smem:$0x3FD2] =	sst s25  }
0xa8: {  	s7 =	sshll.u32 s26, $0x1;
	_ =	strace $0x80000046;
	[dreg:$0x1] =	wrdreg $0xFFFFFFFF  }
0xa9: {  	s28 =	simm.s32 $_size_execute0_lowered;
	s5 =	sadd.s32 s5, s7;
	[dreg:$0x0] =	wrdreg $0x0  }
0xaa: {  	s7 =	sshll.u32 s28, $0x1;
	[dreg:$0x2] =	wrdreg s5  }
0xab: {  	[dreg:$0x3] =	wrdreg s7  }
0xac: {  	[dreg:$0x4] =	wrdreg $0xC0  }
0xad: {  	_ =	task [dreg:s9], $0x5FFFF  }
0xae: {  	[dreg:$0x1] =	wrdreg $0xFFFFFFFF  }
0xaf: {  	[dreg:$0x0] =	wrdreg $0x60  }
0xb0: {  	[dreg:$0x2] =	wrdreg s2  }
0xb1: {  	[dreg:$0x3] =	wrdreg s18  }
0xb2: {  	[dreg:$0x4] =	wrdreg s4  }
0xb3: {  	[dreg:$0x5] =	wrdreg s24  }
0xb4: {  	[dreg:$0x6] =	wrdreg $0x9  }
0xb5: {  	_ =	task.clear_ibuf [dreg:s9], $0x7FFFF;
	_ =	strace $0x90000046  }
0xb6: {  	s29 =	simm.s32 $0x9;
	_ =	strace $0x80000048  }
0xb7: {  	_ =	swait.ge [sflag:s29], $0x1  }
0xb8: {  	[sflag:s29] =	ssyncadd.s32 $0xFFFFFFFF  }
0xb9: {  	_ =	strace $0x90000048  }
0xba: {  	_ =	sfence  }
0xbb: {  	s30 =	sld [smem:$0x0];
	_ =	sdelay $0x2  }
0xbc: {  	s31 =	sshll.u32 s1, $0xD;
	s1 =	sshrl.u32 s1, $0x2  }
0xbd: {  	s3 =	sand.u32 $0x4000, s31;
	s1 =	sadd.s32 s1, s30  }
0xbe: {  	s0 =	sor.u32 s3, s0;
	s1 =	sshll.u32 s1, $0x11  }
0xbf: {  	s0 =	sor.u32 s1, s0  }
0xc0: {  	s0 =	sadd.s32 $0x8F2B, s0  }
0xc1: {  	[sflag:s0] =	ssyncadd.remote.s32 $0x1  }
0xc2: {  	_ =	sfence.sel $0xFFFF  }
0xc3: {  	[dreg:$0x0] =	wrdreg $0xFFFFFFFF;
	(pc) =	sbr.abs _section_cstart, $3  }
0xc4: {  	[dreg:$0x1] =	wrdreg $0xFFFFFFFF  }
0xc5: {  	_ =	task.clear_ibuf [dreg:s9], $0x2FFFF;
	_ =	strace $0x9FFFFFFF  }
0xc6: {  	(tm) =	ssettm $0x7FFFFFFF  }
0xc7: {  	_ =	shalt  }
tec
execute0_lowered:
.L_overlay_start_1:
0x0: {  	(tag) =	ssettag $0x1  }
0x1: {  	s0 =	rddreg [dreg:$0x0]  }
0x2: {  	s2 =	rddreg [dreg:$0x1]  }
0x3: {  	s1 =	rddreg [dreg:$0x2]  }
0x4: {  	s4 =	rddreg [dreg:$0x3];
	s3 =	simm.s32 $0x0;
	s5 =	srdreg.scid  }
0x5: {  	s6 =	stileid.u32;
	s11 =	simm.s32 $0x200;
	s12 =	simm.s32 $0x1  }
0x6: {  	s13 =	simm.s32 $0x80;
	s14 =	simm.s32 $0x400;
	s15 =	simm.s32 $0x600  }
0x7: {  	s16 =	simm.s32 $0x480;
	s17 =	simm.s32 $0x2600;
	s18 =	simm.s32 $0x500  }
0x8: {  	s19 =	simm.s32 $0x4600;
	s20 =	simm.s32 $0x580;
	s21 =	simm.s32 $0x6600  }
0x9: {  	s22 =	simm.s32 $0x2;
	s23 =	simm.s32 $0x8600;
	s24 =	simm.s32 $0x3  }
0xa: {  	s25 =	simm.s32 $0x4;
	s26 =	simm.s32 $0x5;
	s28 =	simm.s32 $0x6  }
0xb: {  	s29 =	simm.s32 $0x0;
	[smem:$0x7FF] =	sst s3;
	s5 =	sand.u32 $0x1, s5  }
0xc: {  	s6 =	sshll.u32 s6, $0x7;
	s7 =	sshll.u32 s5, $0x6;
	s5 =	ssub.s32 $0x2, s5  }
0xd: {  	_ =	strace $0x80000047;
	s6 =	sor.u32 s7, s6;
	s31 =	sshrl.u32 s5, $0x1  }
0xe: {  	v0 =	vlaneseq.u32;
	s9 =	sadd.s32 s6, s4;
	s10 =	ssub.s32 s5, s31;
	s4 =	sadd.s32 s0, s6  }
0xf: {  	v1 =	vor.u32 $0x78, v0;
	s5 =	sadd.s32 s2, s6;
	s6 =	sadd.s32 $0x400, s9;
	s7 =	sadd.s32 $0x410, s9  }
0x10: {  	v2 =	vor.u32 $0xF8, v0;
	v3 =	vor.u32 $0x178, v0;
	v4 =	vor.u32 $0x1F8, v0;
	s8 =	sadd.s32 $0x420, s9;
	s9 =	sadd.s32 $0x430, s9;
	s10 =	smax.u32 s10, $0x1  }
.LBB2_1:
0x11: {  	[tilespmem:s3], [sflag:$0x1] =	stream.linear.gather [hbm4b:s4+s3], $0x200, $0x38;
	[tilespmem:$0x10600] =	vst v63  }
0x12: {  	_ = 	snop  }
0x13: {  	[tilespmem:s11], [sflag:$0x1] =	stream.linear.gather [hbm4b:s5+s3], $0x200, $0x38;
	[tilespmem:$0x10600] =	vst v63  }
0x14: {  	_ =	swait.ge [sflag:s12], $0x200  }
0x15: {  	[sflag:s12] =	ssyncset.done $0x0  }
0x16: {  	[sflag:s12] =	ssyncadd.s32 $0xFFFFFE00  }
0x17: {  	_ =	swait.ge [sflag:s12], $0x200  }
0x18: {  	[sflag:s12] =	ssyncset.done $0x0  }
0x19: {  	[sflag:s12] =	ssyncadd.s32 $0xFFFFFE00  }
0x1a: {  	v5 =	vld [tilespmem:$0x0]  }
0x1b: {  	v6 =	vld [tilespmem:$0x200]  }
0x1c: {  	v7 =	vld [tilespmem:$0x10]  }
0x1d: {  	v8 =	vld [tilespmem:$0x210]  }
0x1e: {  	v9 =	vld [tilespmem:$0x20]  }
0x1f: {  	v10 =	vld [tilespmem:$0x220]  }
0x20: {  	v11 =	vld [tilespmem:$0x30]  }
0x21: {  	v12 =	vld [tilespmem:$0x230]  }
0x22: {  	v13 =	vld [tilespmem:$0x40]  }
0x23: {  	v14 =	vld [tilespmem:$0x240]  }
0x24: {  	v15 =	vld [tilespmem:$0x50]  }
0x25: {  	v16 =	vld [tilespmem:$0x250]  }
0x26: {  	v17 =	vld [tilespmem:$0x60];
	v5 =	vshll.u32 v5, $0x3  }
0x27: {  	v26 =	vld [tilespmem:$0x70];
	v5 =	vadd.s32 v6, v5;
	v6 =	vshll.u32 v7, $0x3  }
0x28: {  	v7 =	vld [tilespmem:$0x260];
	[tilespmem:$0x400] =	vst v5;
	v5 =	vadd.s32 v8, v6;
	v6 =	vshll.u32 v9, $0x3  }
0x29: {  	v27 =	vld [tilespmem:$0x270];
	[tilespmem:$0x410] =	vst v5;
	v5 =	vadd.s32 v10, v6;
	v6 =	vshll.u32 v11, $0x3  }
0x2a: {  	[tilespmem:$0x420] =	vst v5;
	v5 =	vadd.s32 v12, v6;
	v6 =	vshll.u32 v13, $0x3  }
0x2b: {  	[tilespmem:$0x430] =	vst v5;
	v5 =	vadd.s32 v14, v6;
	v6 =	vshll.u32 v15, $0x3  }
0x2c: {  	[tilespmem:$0x440] =	vst v5;
	v5 =	vadd.s32 v16, v6;
	v6 =	vshll.u32 v17, $0x3  }
0x2d: {  	[tilespmem:$0x450] =	vst v5;
	v5 =	vadd.s32 v7, v6;
	v6 =	vshll.u32 v26, $0x3  }
0x2e: {  	[tilespmem:$0x460] =	vst v5;
	v5 =	vadd.s32 v27, v6  }
0x2f: {  	[tilespmem:$0x470] =	vst v5  }
0x30: {  	[tilespmem:s15], [sflag:$0x2] =	stream.indirect.gather [hbm4b:s1+s13], $0x40, s14, s13, $0xb8;
	[tilespmem:$0x10600] =	vst v63  }
0x31: {  	v5 =	vld [tilespmem:$0x80]  }
0x32: {  	v6 =	vld [tilespmem:$0x280]  }
0x33: {  	v7 =	vld [tilespmem:$0x90]  }
0x34: {  	v28 =	vld [tilespmem:$0x290]  }
0x35: {  	v29 =	vld [tilespmem:$0xA0]  }
0x36: {  	v30 =	vld [tilespmem:$0x2A0]  }
0x37: {  	v31 =	vld [tilespmem:$0xB0]  }
0x38: {  	v32 =	vld [tilespmem:$0x2B0]  }
0x39: {  	v33 =	vld [tilespmem:$0xC0]  }
0x3a: {  	v34 =	vld [tilespmem:$0x2C0]  }
0x3b: {  	v35 =	vld [tilespmem:$0xD0]  }
0x3c: {  	v36 =	vld [tilespmem:$0x2D0]  }
0x3d: {  	v37 =	vld [tilespmem:$0xE0];
	v5 =	vshll.u32 v5, $0x3  }
0x3e: {  	v38 =	vld [tilespmem:$0xF0];
	v5 =	vadd.s32 v6, v5;
	v6 =	vshll.u32 v7, $0x3  }
0x3f: {  	v7 =	vld [tilespmem:$0x2E0];
	[tilespmem:$0x480] =	vst v5;
	v5 =	vadd.s32 v28, v6;
	v6 =	vshll.u32 v29, $0x3  }
0x40: {  	v39 =	vld [tilespmem:$0x2F0];
	[tilespmem:$0x490] =	vst v5;
	v5 =	vadd.s32 v30, v6;
	v6 =	vshll.u32 v31, $0x3  }
0x41: {  	[tilespmem:$0x4A0] =	vst v5;
	v5 =	vadd.s32 v32, v6;
	v6 =	vshll.u32 v33, $0x3  }
0x42: {  	[tilespmem:$0x4B0] =	vst v5;
	v5 =	vadd.s32 v34, v6;
	v6 =	vshll.u32 v35, $0x3  }
0x43: {  	[tilespmem:$0x4C0] =	vst v5;
	v5 =	vadd.s32 v36, v6;
	v6 =	vshll.u32 v37, $0x3  }
0x44: {  	[tilespmem:$0x4D0] =	vst v5;
	v5 =	vadd.s32 v7, v6;
	v6 =	vshll.u32 v38, $0x3  }
0x45: {  	[tilespmem:$0x4E0] =	vst v5;
	v5 =	vadd.s32 v39, v6  }
0x46: {  	[tilespmem:$0x4F0] =	vst v5  }
0x47: {  	[tilespmem:s17], [sflag:$0x3] =	stream.indirect.gather [hbm4b:s1+s13], $0x40, s16, s13, $0xb8;
	[tilespmem:$0x10600] =	vst v63  }
0x48: {  	v5 =	vld [tilespmem:$0x100]  }
0x49: {  	v6 =	vld [tilespmem:$0x300]  }
0x4a: {  	v7 =	vld [tilespmem:$0x110]  }
0x4b: {  	v40 =	vld [tilespmem:$0x310]  }
0x4c: {  	v41 =	vld [tilespmem:$0x120]  }
0x4d: {  	v42 =	vld [tilespmem:$0x320]  }
0x4e: {  	v43 =	vld [tilespmem:$0x130]  }
0x4f: {  	v44 =	vld [tilespmem:$0x330]  }
0x50: {  	v45 =	vld [tilespmem:$0x140]  }
0x51: {  	v46 =	vld [tilespmem:$0x340]  }
0x52: {  	v47 =	vld [tilespmem:$0x150]  }
0x53: {  	v48 =	vld [tilespmem:$0x350]  }
0x54: {  	v49 =	vld [tilespmem:$0x160];
	v5 =	vshll.u32 v5, $0x3  }
0x55: {  	v50 =	vld [tilespmem:$0x170];
	v5 =	vadd.s32 v6, v5;
	v6 =	vshll.u32 v7, $0x3  }
0x56: {  	v7 =	vld [tilespmem:$0x360];
	[tilespmem:$0x500] =	vst v5;
	v5 =	vadd.s32 v40, v6;
	v6 =	vshll.u32 v41, $0x3  }
0x57: {  	v51 =	vld [tilespmem:$0x370];
	[tilespmem:$0x510] =	vst v5;
	v5 =	vadd.s32 v42, v6;
	v6 =	vshll.u32 v43, $0x3  }
0x58: {  	[tilespmem:$0x520] =	vst v5;
	v5 =	vadd.s32 v44, v6;
	v6 =	vshll.u32 v45, $0x3  }
0x59: {  	[tilespmem:$0x530] =	vst v5;
	v5 =	vadd.s32 v46, v6;
	v6 =	vshll.u32 v47, $0x3  }
0x5a: {  	[tilespmem:$0x540] =	vst v5;
	v5 =	vadd.s32 v48, v6;
	v6 =	vshll.u32 v49, $0x3  }
0x5b: {  	[tilespmem:$0x550] =	vst v5;
	v5 =	vadd.s32 v7, v6;
	v6 =	vshll.u32 v50, $0x3  }
0x5c: {  	[tilespmem:$0x560] =	vst v5;
	v5 =	vadd.s32 v51, v6  }
0x5d: {  	[tilespmem:$0x570] =	vst v5  }
0x5e: {  	[tilespmem:s19], [sflag:$0x4] =	stream.indirect.gather [hbm4b:s1+s13], $0x40, s18, s13, $0xb8;
	[tilespmem:$0x10600] =	vst v63  }
0x5f: {  	v5 =	vld [tilespmem:$0x180]  }
0x60: {  	v6 =	vld [tilespmem:$0x380]  }
0x61: {  	v7 =	vld [tilespmem:$0x190]  }
0x62: {  	v52 =	vld [tilespmem:$0x390]  }
0x63: {  	v53 =	vld [tilespmem:$0x1A0]  }
0x64: {  	v54 =	vld [tilespmem:$0x3A0]  }
0x65: {  	v55 =	vld [tilespmem:$0x1B0]  }
0x66: {  	v56 =	vld [tilespmem:$0x3B0]  }
0x67: {  	v57 =	vld [tilespmem:$0x1C0]  }
0x68: {  	v58 =	vld [tilespmem:$0x3C0]  }
0x69: {  	v59 =	vld [tilespmem:$0x1D0]  }
0x6a: {  	v60 =	vld [tilespmem:$0x3D0]  }
0x6b: {  	v61 =	vld [tilespmem:$0x1E0];
	v5 =	vshll.u32 v5, $0x3  }
0x6c: {  	v62 =	vld [tilespmem:$0x1F0];
	v5 =	vadd.s32 v6, v5;
	v6 =	vshll.u32 v7, $0x3  }
0x6d: {  	v7 =	vld [tilespmem:$0x3E0];
	[tilespmem:$0x580] =	vst v5;
	v5 =	vadd.s32 v52, v6;
	v6 =	vshll.u32 v53, $0x3  }
0x6e: {  	v63 =	vld [tilespmem:$0x3F0];
	[tilespmem:$0x590] =	vst v5;
	v5 =	vadd.s32 v54, v6;
	v6 =	vshll.u32 v55, $0x3  }
0x6f: {  	[tilespmem:$0x5A0] =	vst v5;
	v5 =	vadd.s32 v56, v6;
	v6 =	vshll.u32 v57, $0x3  }
0x70: {  	[tilespmem:$0x5B0] =	vst v5;
	v5 =	vadd.s32 v58, v6;
	v6 =	vshll.u32 v59, $0x3  }
0x71: {  	[tilespmem:$0x5C0] =	vst v5;
	v5 =	vadd.s32 v60, v6;
	v6 =	vshll.u32 v61, $0x3  }
0x72: {  	[tilespmem:$0x5D0] =	vst v5;
	v5 =	vadd.s32 v7, v6;
	v6 =	vshll.u32 v62, $0x3  }
0x73: {  	[tilespmem:$0x5E0] =	vst v5;
	v5 =	vadd.s32 v63, v6  }
0x74: {  	[tilespmem:$0x5F0] =	vst v5  }
0x75: {  	[tilespmem:s21], [sflag:$0x5] =	stream.indirect.gather [hbm4b:s1+s13], $0x40, s20, s13, $0xb8;
	[tilespmem:$0x10600] =	vst v63  }
0x76: {  	_ =	swait.ge [sflag:s22], $0x2000  }
0x77: {  	[sflag:s22] =	ssyncset.done $0x0  }
0x78: {  	s30 =	simm.s32 $0x0;
	[sflag:s22] =	ssyncadd.s32 $0xFFFFE000  }
.LBB2_2:
0x79: {  	s0 =	sshll.u32 s30, $0x4;
	s2 =	simm.s32 $0x0  }
0x7a: {  	v5 =	vor.u32 s0, v0;
	v17 =	vadd.s32 s2, v0;
	s2 =	simm.s32 $0x1  }
0x7b: {  	v9 =	vshll.u32 v5, $0x6;
	v12 =	vand.u32 $0xF, v17;
	v25 =	vadd.s32 s2, v0  }
0x7c: {  	v8 =	vor.u32 v9, v12;
	v13 =	vand.u32 $0xF, v25  }
0x7d: {  	v14 =	vor.u32 v9, v13;
	_ =	sdelay $0x1  }
0x7e: {  	v7 =	vand.u32 v1, v5;
	s2 =	simm.s32 $0x2;
	v15 =	vor.u32 $0x10, v9;
	v6 =	vor.u32 $0x30, v9  }
0x7f: {  	v10 =	vor.u32 $0x2000, v7;
	v16 =	vshll.u32 v12, $0x9;
	v11 =	vadd.s32 s2, v0  }
0x80: {  	v23 =	vor.u32 $0x20, v12;
	v16 =	vor.u32 v7, v16;
	v19 =	vshll.u32 v13, $0x9;
	v18 =	vld.idx.msk [tilespmem:v8+s15+$0x0], $0xffff  }
0x81: {  	v20 =	vor.u32 v15, v17;
	v24 =	vor.u32 v15, v25;
	v22 =	vor.u32 v7, v19;
	v21 =	vld.idx.msk [tilespmem:v14+s15+$0x0], $0xffff  }
0x82: {  	v26 =	vand.u32 $0xF, v11;
	v12 =	vand.u32 $0x28, v23;
	v34 =	vor.u32 $0x20, v13  }
0x83: {  	s2 =	simm.s32 $0x3;
	v28 =	vor.u32 v9, v26;
	v13 =	vand.u32 $0x28, v34;
	v14 =	vand.u32 $0x7, v17  }
0x84: {  	v8 =	vshll.u32 v17, $0x9;
	v12 =	vor.u32 v12, v14;
	v14 =	vadd.s32 s2, v0  }
0x85: {  	v30 =	vor.u32 v10, v8;
	v33 =	vor.u32 v9, v12;
	v19 =	vand.u32 $0xF, v14;
	[tilespmem:v16+s23+$0x0] =	vst.idx.msk $0xffff, v18  }
0x86: {  	v12 =	vshll.u32 v25, $0x9;
	v16 =	vand.u32 $0x7, v25;
	[tilespmem:v22+s23+$0x0] =	vst.idx.msk $0xffff, v21;
	v18 =	vld.idx.msk [tilespmem:v20+s15+$0x0], $0xffff;
	v21 =	vor.u32 v9, v19  }
0x87: {  	v5 =	vor.u32 $0x6000, v7;
	v22 =	vor.u32 v10, v12;
	v13 =	vor.u32 v13, v16;
	v24 =	vld.idx.msk [tilespmem:v24+s15+$0x0], $0xffff  }
0x88: {  	v27 =	vor.u32 v15, v11;
	v23 =	vshll.u32 v23, $0x9;
	v35 =	vor.u32 v9, v13  }
0x89: {  	v17 =	vor.u32 v6, v17;
	v29 =	vshll.u32 v19, $0x9;
	v20 =	vshll.u32 v26, $0x9  }
0x8a: {  	s2 =	simm.s32 $0x4;
	v31 =	vld.idx.msk [tilespmem:v28+s15+$0x0], $0xffff;
	v29 =	vor.u32 v7, v29;
	v25 =	vor.u32 v6, v25;
	v32 =	vor.u32 v7, v20  }
0x8b: {  	v36 =	vand.u32 $0x7, v11;
	v16 =	vadd.s32 s2, v0;
	v20 =	vor.u32 v7, v23;
	v28 =	vld.idx.msk [tilespmem:v21+s15+$0x0], $0xffff;
	[tilespmem:v30+s23+$0x0] =	vst.idx.msk $0xffff, v18  }
0x8c: {  	v23 =	vshll.u32 v34, $0x9;
	v18 =	vor.u32 $0x20, v26;
	v30 =	vor.u32 v15, v14;
	v21 =	vld.idx.msk [tilespmem:v33+s15+$0x0], $0xffff;
	[tilespmem:v22+s23+$0x0] =	vst.idx.msk $0xffff, v24  }
0x8d: {  	v13 =	vshll.u32 v11, $0x9;
	v23 =	vor.u32 v7, v23;
	v63 =	vand.u32 $0x28, v18;
	v22 =	vld.idx.msk [tilespmem:v35+s15+$0x0], $0xffff  }
0x8e: {  	s31 =	simm.s32 $0x6;
	s0 =	simm.s32 $0x5;
	v26 =	vor.u32 v10, v13;
	v24 =	vand.u32 $0xF, v16;
	v33 =	vor.u32 v63, v36  }
.LBB2_3:
0x8f: {  	p0 =	slt.u32 s31, $0xE;
	v34 =	vor.u32 v9, v24;
	v35 =	vadd.s32 s0, v0;
	[tilespmem:v32+s23+$0x0] =	vst.idx.msk $0xffff, v31;
	v33 =	vor.u32 v9, v33  }
0x90: {  	v37 =	vor.u32 $0x20, v19;
	v36 =	vld.idx.msk [tilespmem:v27+s15+$0x0], $0xffff;
	[tilespmem:v29+s23+$0x0] =	vst.idx.msk $0xffff, v28;
	v27 =	vshll.u32 v14, $0x9;
	v19 =	vand.u32 $0xF, v35  }
0x91: {  	v31 =	vand.u32 $0x7, v14;
	v29 =	vand.u32 $0x28, v37;
	v28 =	vor.u32 v9, v19;
	v30 =	vld.idx.msk [tilespmem:v30+s15+$0x0], $0xffff;
	[tilespmem:v20+s23+$0x0] =	vst.idx.msk $0xffff, v21  }
0x92: {  	v38 =	vor.u32 v10, v27;
	v20 =	vor.u32 v29, v31;
	v39 =	vld.idx.msk [tilespmem:v17+s15+$0x0], $0xffff;
	[tilespmem:v23+s23+$0x0] =	vst.idx.msk $0xffff, v22  }
0x93: {  	v21 =	vadd.s32 s31, v0;
	v22 =	vor.u32 v9, v20;
	v23 =	vor.u32 v5, v8;
	v8 =	vmovc v13;
	v25 =	vld.idx.msk [tilespmem:v25+s15+$0x0], $0xffff  }
0x94: {  	v40 =	vor.u32 v5, v12;
	v12 =	vmovc v27;
	v13 =	vshll.u32 v16, $0x9;
	v17 =	vor.u32 v6, v11;
	v11 =	vmovc v16  }
0x95: {  	v20 =	vshll.u32 v24, $0x9;
	v16 =	vmovc v21;
	v27 =	vor.u32 v15, v11;
	v31 =	vld.idx.msk [tilespmem:v34+s15+$0x0], $0xffff;
	v34 =	vand.u32 $0x7, v11  }
.Ltmp0:
0x96: {  	v18 =	vshll.u32 v18, $0x9;
	v32 =	vor.u32 v7, v20;
	v20 =	vshll.u32 v19, $0x9;
	v28 =	vld.idx.msk [tilespmem:v28+s15+$0x0], $0xffff;
	[tilespmem:v26+s23+$0x0] =	vst.idx.msk $0xffff, v36;
	(pc) =	sbr.rel @p0 .LBB2_3-.Ltmp0, $4  }
0x97: {  	v29 =	vor.u32 v7, v20;
	v20 =	vor.u32 v7, v18;
	v21 =	vld.idx.msk [tilespmem:v33+s15+$0x0], $0xffff;
	[tilespmem:v38+s23+$0x0] =	vst.idx.msk $0xffff, v30  }
0x98: {  	v18 =	vor.u32 $0x20, v24;
	v26 =	vshll.u32 v37, $0x9;
	v30 =	vor.u32 v15, v35;
	v22 =	vld.idx.msk [tilespmem:v22+s15+$0x0], $0xffff;
	[tilespmem:v23+s23+$0x0] =	vst.idx.msk $0xffff, v39  }
0x99: {  	v24 =	vand.u32 $0xF, v16;
	v33 =	vand.u32 $0x28, v18;
	v23 =	vor.u32 v7, v26;
	[tilespmem:v40+s23+$0x0] =	vst.idx.msk $0xffff, v25  }
0x9a: {  	s0 =	sadd.s32 $0x1, s31;
	s31 =	sadd.s32 $0x2, s31;
	v26 =	vor.u32 v10, v13;
	v33 =	vor.u32 v33, v34;
	v25 =	vor.u32 v6, v14;
	v14 =	vmovc v35  }
0x9b: {  	v34 =	vadd.s32 s0, v0  }
0x9c: {  	v35 =	vor.u32 v9, v24;
	v36 =	vand.u32 $0xF, v34  }
0x9d: {  	v37 =	vor.u32 v9, v36;
	_ =	sdelay $0x2  }
0x9e: {  	v33 =	vor.u32 v9, v33;
	v19 =	vor.u32 $0x20, v19;
	v38 =	vshll.u32 v24, $0x9  }
0x9f: {  	v39 =	vand.u32 $0x7, v14;
	v59 =	vor.u32 v7, v38;
	v60 =	vshll.u32 v36, $0x9;
	v58 =	vld.idx.msk [tilespmem:v35+s15+$0x0], $0xffff  }
0xa0: {  	v40 =	vor.u32 v15, v16;
	v41 =	vshll.u32 v14, $0x9;
	v38 =	vor.u32 v7, v60;
	v37 =	vld.idx.msk [tilespmem:v37+s15+$0x0], $0xffff  }
0xa1: {  	[tilespmem:v32+s23+$0x0] =	vst.idx.msk $0xffff, v31;
	v45 =	vor.u32 $0x20, v24;
	v46 =	vshll.u32 v16, $0x9;
	v61 =	vor.u32 v15, v34  }
0xa2: {  	[tilespmem:v29+s23+$0x0] =	vst.idx.msk $0xffff, v28;
	v47 =	vand.u32 $0x7, v16;
	v57 =	vand.u32 $0x28, v19;
	v27 =	vld.idx.msk [tilespmem:v27+s15+$0x0], $0xffff;
	v62 =	vor.u32 v10, v41  }
0xa3: {  	v30 =	vld.idx.msk [tilespmem:v30+s15+$0x0], $0xffff;
	v42 =	vand.u32 $0x28, v45;
	v48 =	vor.u32 v10, v46;
	v51 =	vshll.u32 v34, $0x9  }
0xa4: {  	v31 =	vor.u32 v57, v39;
	v49 =	vor.u32 v42, v47;
	v36 =	vor.u32 $0x20, v36;
	[tilespmem:v59+s23+$0x0] =	vst.idx.msk $0xffff, v58  }
0xa5: {  	v53 =	vand.u32 $0x7, v34;
	v63 =	vor.u32 v9, v31;
	v52 =	vand.u32 $0x28, v36;
	v50 =	vld.idx.msk [tilespmem:v40+s15+$0x0], $0xffff;
	[tilespmem:v38+s23+$0x0] =	vst.idx.msk $0xffff, v37  }
0xa6: {  	v54 =	vor.u32 v10, v51;
	v35 =	vor.u32 v9, v49;
	v38 =	vor.u32 v52, v53;
	v15 =	vld.idx.msk [tilespmem:v61+s15+$0x0], $0xffff  }
0xa7: {  	v55 =	vor.u32 v9, v38  }
0xa8: {  	v18 =	vshll.u32 v18, $0x9;
	v11 =	vor.u32 v6, v11;
	[tilespmem:v26+s23+$0x0] =	vst.idx.msk $0xffff, v27  }
0xa9: {  	v18 =	vor.u32 v7, v18;
	v19 =	vshll.u32 v19, $0x9;
	v24 =	vshll.u32 v45, $0x9;
	[tilespmem:v62+s23+$0x0] =	vst.idx.msk $0xffff, v30;
	v26 =	vld.idx.msk [tilespmem:v33+s15+$0x0], $0xffff  }
0xaa: {  	v19 =	vor.u32 v7, v19;
	v57 =	vor.u32 v6, v14;
	v56 =	vld.idx.msk [tilespmem:v63+s15+$0x0], $0xffff;
	[tilespmem:v48+s23+$0x0] =	vst.idx.msk $0xffff, v50  }
0xab: {  	v24 =	vor.u32 v7, v24;
	v59 =	vshll.u32 v36, $0x9;
	v58 =	vld.idx.msk [tilespmem:v35+s15+$0x0], $0xffff;
	[tilespmem:v54+s23+$0x0] =	vst.idx.msk $0xffff, v15  }
0xac: {  	[tilespmem:v23+s23+$0x0] =	vst.idx.msk $0xffff, v22;
	v60 =	vor.u32 v6, v16;
	v7 =	vor.u32 v7, v59;
	v9 =	vld.idx.msk [tilespmem:v55+s15+$0x0], $0xffff  }
0xad: {  	v12 =	vor.u32 v5, v12;
	[tilespmem:v20+s23+$0x0] =	vst.idx.msk $0xffff, v21;
	v6 =	vor.u32 v6, v34;
	v62 =	vld.idx.msk [tilespmem:v25+s15+$0x0], $0xffff  }
0xae: {  	v8 =	vor.u32 v5, v8;
	[tilespmem:v18+s23+$0x0] =	vst.idx.msk $0xffff, v26;
	v61 =	vld.idx.msk [tilespmem:v17+s15+$0x0], $0xffff  }
0xaf: {  	v13 =	vor.u32 v5, v13;
	v11 =	vld.idx.msk [tilespmem:v11+s15+$0x0], $0xffff;
	[tilespmem:v19+s23+$0x0] =	vst.idx.msk $0xffff, v56  }
0xb0: {  	v63 =	vor.u32 v5, v41;
	v14 =	vld.idx.msk [tilespmem:v57+s15+$0x0], $0xffff;
	[tilespmem:v24+s23+$0x0] =	vst.idx.msk $0xffff, v58  }
0xb1: {  	s30 =	sadd.s32 $0x1, s30;
	v15 =	vld.idx.msk [tilespmem:v60+s15+$0x0], $0xffff;
	[tilespmem:v7+s23+$0x0] =	vst.idx.msk $0xffff, v9;
	v7 =	vor.u32 v5, v46  }
0xb2: {  	p0 =	sne.s32 s30, $0x8;
	[tilespmem:v12+s23+$0x0] =	vst.idx.msk $0xffff, v62;
	v5 =	vor.u32 v5, v51;
	v6 =	vld.idx.msk [tilespmem:v6+s15+$0x0], $0xffff  }
.Ltmp1:
0xb3: {  	[tilespmem:v8+s23+$0x0] =	vst.idx.msk $0xffff, v61;
	(pc) =	sbr.rel @p0 .LBB2_2-.Ltmp1, $4  }
0xb4: {  	[tilespmem:v13+s23+$0x0] =	vst.idx.msk $0xffff, v11  }
0xb5: {  	[tilespmem:v63+s23+$0x0] =	vst.idx.msk $0xffff, v14  }
0xb6: {  	[tilespmem:v7+s23+$0x0] =	vst.idx.msk $0xffff, v15  }
0xb7: {  	[tilespmem:v5+s23+$0x0] =	vst.idx.msk $0xffff, v6  }
0xb8: {  	s0 =	simm.s32 $0x800;
	s2 =	simm.s32 $0x8600;
	s30 =	sadd.s32 $0x0, s6  }
.LBB2_6:
0xb9: {  	[hbm4b:s30+s3] =	stream.linear.scatter [tilespmem:s2], [sflag:$0x6], $0x80, $0x38;
	[tilespmem:$0x10600] =	vst v63  }
0xba: {  	s30 =	smov.u32 s0;
	p0 =	sne.s32 s0, $0x1F800  }
.Ltmp2:
0xbb: {  	s0 =	sadd.s32 $0x800, s0;
	(pc) =	sbr.rel @p0 .LBB2_6-.Ltmp2, $3  }
0xbc: {  	_ =	sdelay $0x1  }
0xbd: {  	s2 =	sshra.s32 s30, $0x2  }
0xbe: {  	s30 =	sadd.s32 s30, s6;
	s2 =	sadd.s32 $0x8600, s2  }
0xbf: {  	[hbm4b:s30+s3] =	stream.linear.scatter [tilespmem:s2], [sflag:$0x6], $0x80, $0x38;
	[tilespmem:$0x10600] =	vst v63  }
0xc0: {  	_ =	swait.ge [sflag:s24], $0x2000  }
0xc1: {  	[sflag:s24] =	ssyncset.done $0x0  }
0xc2: {  	s30 =	simm.s32 $0x0;
	s31 =	simm.s32 $0x0;
	[sflag:s24] =	ssyncadd.s32 $0xFFFFE000  }
.LBB2_8:
0xc3: {  	s0 =	sshll.u32 s31, $0x4  }
0xc4: {  	s0 =	sadd.s32 $0x80, s0  }
0xc5: {  	v17 =	vadd.s32 s30, v0;
	s2 =	simm.s32 $0x1;
	v5 =	vor.u32 s0, v0  }
0xc6: {  	v12 =	vand.u32 $0xF, v17;
	v25 =	vadd.s32 s2, v0;
	v9 =	vshll.u32 v5, $0x6  }
0xc7: {  	v13 =	vand.u32 $0xF, v25;
	v8 =	vor.u32 v9, v12  }
0xc8: {  	v14 =	vor.u32 v9, v13  }
0xc9: {  	s2 =	simm.s32 $0x2  }
0xca: {  	v16 =	vshll.u32 v12, $0x9;
	v11 =	vadd.s32 s2, v0;
	v23 =	vor.u32 $0x20, v12  }
0xcb: {  	v7 =	vand.u32 v2, v5;
	v19 =	vshll.u32 v13, $0x9;
	v26 =	vand.u32 $0xF, v11  }
0xcc: {  	v34 =	vor.u32 $0x20, v13;
	v15 =	vor.u32 $0x10, v9;
	v16 =	vor.u32 v7, v16;
	v18 =	vld.idx.msk [tilespmem:v8+s15+$0x0], $0xffff  }
0xcd: {  	v36 =	vand.u32 $0x7, v11;
	v22 =	vor.u32 v7, v19;
	v20 =	vor.u32 v15, v17;
	v21 =	vld.idx.msk [tilespmem:v14+s15+$0x0], $0xffff  }
0xce: {  	v10 =	vor.u32 $0x2000, v7;
	v12 =	vand.u32 $0x28, v23;
	v24 =	vor.u32 v15, v25  }
0xcf: {  	s2 =	simm.s32 $0x3;
	v28 =	vor.u32 v9, v26;
	v13 =	vand.u32 $0x28, v34;
	v14 =	vand.u32 $0x7, v17  }
0xd0: {  	v8 =	vshll.u32 v17, $0x9;
	v12 =	vor.u32 v12, v14;
	v14 =	vadd.s32 s2, v0  }
0xd1: {  	v30 =	vor.u32 v10, v8;
	v33 =	vor.u32 v9, v12;
	v19 =	vand.u32 $0xF, v14;
	[tilespmem:v16+s23+$0x0] =	vst.idx.msk $0xffff, v18  }
0xd2: {  	v12 =	vshll.u32 v25, $0x9;
	[tilespmem:v22+s23+$0x0] =	vst.idx.msk $0xffff, v21;
	v16 =	vand.u32 $0x7, v25;
	v21 =	vor.u32 v9, v19;
	v18 =	vld.idx.msk [tilespmem:v20+s15+$0x0], $0xffff  }
0xd3: {  	v6 =	vor.u32 $0x30, v9;
	v22 =	vor.u32 v10, v12;
	v13 =	vor.u32 v13, v16;
	v24 =	vld.idx.msk [tilespmem:v24+s15+$0x0], $0xffff  }
0xd4: {  	v23 =	vshll.u32 v23, $0x9;
	v27 =	vor.u32 v15, v11;
	v35 =	vor.u32 v9, v13  }
0xd5: {  	v17 =	vor.u32 v6, v17;
	v29 =	vshll.u32 v19, $0x9;
	v20 =	vshll.u32 v26, $0x9  }
0xd6: {  	v31 =	vld.idx.msk [tilespmem:v28+s15+$0x0], $0xffff;
	s2 =	simm.s32 $0x4;
	v29 =	vor.u32 v7, v29;
	v25 =	vor.u32 v6, v25;
	v32 =	vor.u32 v7, v20  }
0xd7: {  	v5 =	vor.u32 $0x6000, v7;
	v16 =	vadd.s32 s2, v0;
	v20 =	vor.u32 v7, v23;
	v28 =	vld.idx.msk [tilespmem:v21+s15+$0x0], $0xffff;
	[tilespmem:v30+s23+$0x0] =	vst.idx.msk $0xffff, v18  }
0xd8: {  	v23 =	vshll.u32 v34, $0x9;
	v18 =	vor.u32 $0x20, v26;
	v30 =	vor.u32 v15, v14;
	[tilespmem:v22+s23+$0x0] =	vst.idx.msk $0xffff, v24;
	v21 =	vld.idx.msk [tilespmem:v33+s15+$0x0], $0xffff  }
0xd9: {  	v13 =	vshll.u32 v11, $0x9;
	v23 =	vor.u32 v7, v23;
	v63 =	vand.u32 $0x28, v18;
	v22 =	vld.idx.msk [tilespmem:v35+s15+$0x0], $0xffff  }
0xda: {  	s0 =	simm.s32 $0x6;
	s2 =	simm.s32 $0x5;
	v24 =	vand.u32 $0xF, v16;
	v26 =	vor.u32 v10, v13;
	v33 =	vor.u32 v63, v36  }
.LBB2_9:
0xdb: {  	p0 =	slt.u32 s0, $0xE;
	v34 =	vor.u32 v9, v24;
	v35 =	vadd.s32 s2, v0;
	[tilespmem:v32+s23+$0x0] =	vst.idx.msk $0xffff, v31;
	v33 =	vor.u32 v9, v33  }
0xdc: {  	v37 =	vor.u32 $0x20, v19;
	v36 =	vld.idx.msk [tilespmem:v27+s15+$0x0], $0xffff;
	[tilespmem:v29+s23+$0x0] =	vst.idx.msk $0xffff, v28;
	v27 =	vshll.u32 v14, $0x9;
	v19 =	vand.u32 $0xF, v35  }
0xdd: {  	v31 =	vand.u32 $0x7, v14;
	v29 =	vand.u32 $0x28, v37;
	v28 =	vor.u32 v9, v19;
	v30 =	vld.idx.msk [tilespmem:v30+s15+$0x0], $0xffff;
	[tilespmem:v20+s23+$0x0] =	vst.idx.msk $0xffff, v21  }
0xde: {  	v38 =	vor.u32 v10, v27;
	v20 =	vor.u32 v29, v31;
	v39 =	vld.idx.msk [tilespmem:v17+s15+$0x0], $0xffff;
	[tilespmem:v23+s23+$0x0] =	vst.idx.msk $0xffff, v22  }
0xdf: {  	v21 =	vadd.s32 s0, v0;
	v22 =	vor.u32 v9, v20;
	v23 =	vor.u32 v5, v8;
	v8 =	vmovc v13;
	v25 =	vld.idx.msk [tilespmem:v25+s15+$0x0], $0xffff  }
0xe0: {  	v40 =	vor.u32 v5, v12;
	v12 =	vmovc v27;
	v13 =	vshll.u32 v16, $0x9;
	v17 =	vor.u32 v6, v11;
	v11 =	vmovc v16  }
0xe1: {  	v20 =	vshll.u32 v24, $0x9;
	v16 =	vmovc v21;
	v27 =	vor.u32 v15, v11;
	v31 =	vld.idx.msk [tilespmem:v34+s15+$0x0], $0xffff;
	v34 =	vand.u32 $0x7, v11  }
.Ltmp3:
0xe2: {  	v18 =	vshll.u32 v18, $0x9;
	v32 =	vor.u32 v7, v20;
	v20 =	vshll.u32 v19, $0x9;
	v28 =	vld.idx.msk [tilespmem:v28+s15+$0x0], $0xffff;
	[tilespmem:v26+s23+$0x0] =	vst.idx.msk $0xffff, v36;
	(pc) =	sbr.rel @p0 .LBB2_9-.Ltmp3, $4  }
0xe3: {  	v29 =	vor.u32 v7, v20;
	v20 =	vor.u32 v7, v18;
	v21 =	vld.idx.msk [tilespmem:v33+s15+$0x0], $0xffff;
	[tilespmem:v38+s23+$0x0] =	vst.idx.msk $0xffff, v30  }
0xe4: {  	v18 =	vor.u32 $0x20, v24;
	v26 =	vshll.u32 v37, $0x9;
	v30 =	vor.u32 v15, v35;
	v22 =	vld.idx.msk [tilespmem:v22+s15+$0x0], $0xffff;
	[tilespmem:v23+s23+$0x0] =	vst.idx.msk $0xffff, v39  }
0xe5: {  	v24 =	vand.u32 $0xF, v16;
	v33 =	vand.u32 $0x28, v18;
	v23 =	vor.u32 v7, v26;
	[tilespmem:v40+s23+$0x0] =	vst.idx.msk $0xffff, v25  }
0xe6: {  	s2 =	sadd.s32 $0x1, s0;
	s0 =	sadd.s32 $0x2, s0;
	v26 =	vor.u32 v10, v13;
	v33 =	vor.u32 v33, v34;
	v25 =	vor.u32 v6, v14;
	v14 =	vmovc v35  }
0xe7: {  	v34 =	vadd.s32 s2, v0  }
0xe8: {  	v35 =	vor.u32 v9, v24;
	v36 =	vand.u32 $0xF, v34  }
0xe9: {  	v37 =	vor.u32 v9, v36;
	_ =	sdelay $0x2  }
0xea: {  	v33 =	vor.u32 v9, v33;
	v19 =	vor.u32 $0x20, v19;
	v38 =	vshll.u32 v24, $0x9  }
0xeb: {  	v39 =	vand.u32 $0x7, v14;
	v59 =	vor.u32 v7, v38;
	v60 =	vshll.u32 v36, $0x9;
	v58 =	vld.idx.msk [tilespmem:v35+s15+$0x0], $0xffff  }
0xec: {  	v40 =	vor.u32 v15, v16;
	v41 =	vshll.u32 v14, $0x9;
	v38 =	vor.u32 v7, v60;
	v37 =	vld.idx.msk [tilespmem:v37+s15+$0x0], $0xffff  }
0xed: {  	[tilespmem:v32+s23+$0x0] =	vst.idx.msk $0xffff, v31;
	v45 =	vor.u32 $0x20, v24;
	v46 =	vshll.u32 v16, $0x9;
	v61 =	vor.u32 v15, v34  }
0xee: {  	[tilespmem:v29+s23+$0x0] =	vst.idx.msk $0xffff, v28;
	v47 =	vand.u32 $0x7, v16;
	v57 =	vand.u32 $0x28, v19;
	v27 =	vld.idx.msk [tilespmem:v27+s15+$0x0], $0xffff;
	v62 =	vor.u32 v10, v41  }
0xef: {  	v30 =	vld.idx.msk [tilespmem:v30+s15+$0x0], $0xffff;
	v42 =	vand.u32 $0x28, v45;
	v48 =	vor.u32 v10, v46;
	v51 =	vshll.u32 v34, $0x9  }
0xf0: {  	v31 =	vor.u32 v57, v39;
	v49 =	vor.u32 v42, v47;
	v36 =	vor.u32 $0x20, v36;
	[tilespmem:v59+s23+$0x0] =	vst.idx.msk $0xffff, v58  }
0xf1: {  	v53 =	vand.u32 $0x7, v34;
	v63 =	vor.u32 v9, v31;
	v52 =	vand.u32 $0x28, v36;
	v50 =	vld.idx.msk [tilespmem:v40+s15+$0x0], $0xffff;
	[tilespmem:v38+s23+$0x0] =	vst.idx.msk $0xffff, v37  }
0xf2: {  	v54 =	vor.u32 v10, v51;
	v35 =	vor.u32 v9, v49;
	v38 =	vor.u32 v52, v53;
	v15 =	vld.idx.msk [tilespmem:v61+s15+$0x0], $0xffff  }
0xf3: {  	v55 =	vor.u32 v9, v38  }
0xf4: {  	v18 =	vshll.u32 v18, $0x9;
	v11 =	vor.u32 v6, v11;
	[tilespmem:v26+s23+$0x0] =	vst.idx.msk $0xffff, v27  }
0xf5: {  	v18 =	vor.u32 v7, v18;
	v19 =	vshll.u32 v19, $0x9;
	v24 =	vshll.u32 v45, $0x9;
	[tilespmem:v62+s23+$0x0] =	vst.idx.msk $0xffff, v30;
	v26 =	vld.idx.msk [tilespmem:v33+s15+$0x0], $0xffff  }
0xf6: {  	v19 =	vor.u32 v7, v19;
	v57 =	vor.u32 v6, v14;
	v56 =	vld.idx.msk [tilespmem:v63+s15+$0x0], $0xffff;
	[tilespmem:v48+s23+$0x0] =	vst.idx.msk $0xffff, v50  }
0xf7: {  	v24 =	vor.u32 v7, v24;
	v59 =	vshll.u32 v36, $0x9;
	v58 =	vld.idx.msk [tilespmem:v35+s15+$0x0], $0xffff;
	[tilespmem:v54+s23+$0x0] =	vst.idx.msk $0xffff, v15  }
0xf8: {  	[tilespmem:v23+s23+$0x0] =	vst.idx.msk $0xffff, v22;
	v60 =	vor.u32 v6, v16;
	v7 =	vor.u32 v7, v59;
	v9 =	vld.idx.msk [tilespmem:v55+s15+$0x0], $0xffff  }
0xf9: {  	v12 =	vor.u32 v5, v12;
	[tilespmem:v20+s23+$0x0] =	vst.idx.msk $0xffff, v21;
	v6 =	vor.u32 v6, v34;
	v62 =	vld.idx.msk [tilespmem:v25+s15+$0x0], $0xffff  }
0xfa: {  	v8 =	vor.u32 v5, v8;
	[tilespmem:v18+s23+$0x0] =	vst.idx.msk $0xffff, v26;
	v61 =	vld.idx.msk [tilespmem:v17+s15+$0x0], $0xffff  }
0xfb: {  	v13 =	vor.u32 v5, v13;
	v11 =	vld.idx.msk [tilespmem:v11+s15+$0x0], $0xffff;
	[tilespmem:v19+s23+$0x0] =	vst.idx.msk $0xffff, v56  }
0xfc: {  	v63 =	vor.u32 v5, v41;
	v14 =	vld.idx.msk [tilespmem:v57+s15+$0x0], $0xffff;
	[tilespmem:v24+s23+$0x0] =	vst.idx.msk $0xffff, v58  }
0xfd: {  	s31 =	sadd.s32 $0x1, s31;
	v15 =	vld.idx.msk [tilespmem:v60+s15+$0x0], $0xffff;
	[tilespmem:v7+s23+$0x0] =	vst.idx.msk $0xffff, v9;
	v7 =	vor.u32 v5, v46  }
0xfe: {  	p0 =	sne.s32 s31, $0x8;
	[tilespmem:v12+s23+$0x0] =	vst.idx.msk $0xffff, v62;
	v5 =	vor.u32 v5, v51;
	v6 =	vld.idx.msk [tilespmem:v6+s15+$0x0], $0xffff  }
.Ltmp4:
0xff: {  	[tilespmem:v8+s23+$0x0] =	vst.idx.msk $0xffff, v61;
	(pc) =	sbr.rel @p0 .LBB2_8-.Ltmp4, $4  }
0x100: {  	[tilespmem:v13+s23+$0x0] =	vst.idx.msk $0xffff, v11  }
0x101: {  	[tilespmem:v63+s23+$0x0] =	vst.idx.msk $0xffff, v14  }
0x102: {  	[tilespmem:v7+s23+$0x0] =	vst.idx.msk $0xffff, v15  }
0x103: {  	[tilespmem:v5+s23+$0x0] =	vst.idx.msk $0xffff, v6  }
0x104: {  	s0 =	simm.s32 $0x800;
	s2 =	simm.s32 $0x8680;
	s30 =	sadd.s32 $0x0, s7  }
.LBB2_12:
0x105: {  	[hbm4b:s30+s3] =	stream.linear.scatter [tilespmem:s2], [sflag:$0x6], $0x80, $0x38;
	[tilespmem:$0x10600] =	vst v63  }
0x106: {  	s30 =	smov.u32 s0;
	p0 =	sne.s32 s0, $0x1F800  }
.Ltmp5:
0x107: {  	s0 =	sadd.s32 $0x800, s0;
	(pc) =	sbr.rel @p0 .LBB2_12-.Ltmp5, $3  }
0x108: {  	_ =	sdelay $0x1  }
0x109: {  	s2 =	sshra.s32 s30, $0x2  }
0x10a: {  	s30 =	sadd.s32 s30, s7;
	s2 =	sadd.s32 $0x8680, s2  }
0x10b: {  	[hbm4b:s30+s3] =	stream.linear.scatter [tilespmem:s2], [sflag:$0x6], $0x80, $0x38;
	[tilespmem:$0x10600] =	vst v63  }
0x10c: {  	_ =	swait.ge [sflag:s25], $0x2000  }
0x10d: {  	[sflag:s25] =	ssyncset.done $0x0  }
0x10e: {  	s30 =	simm.s32 $0x0;
	s31 =	simm.s32 $0x0;
	[sflag:s25] =	ssyncadd.s32 $0xFFFFE000  }
.LBB2_14:
0x10f: {  	s0 =	sshll.u32 s31, $0x4  }
0x110: {  	s0 =	sadd.s32 $0x100, s0  }
0x111: {  	v17 =	vadd.s32 s30, v0;
	s2 =	simm.s32 $0x1;
	v5 =	vor.u32 s0, v0  }
0x112: {  	v12 =	vand.u32 $0xF, v17;
	v25 =	vadd.s32 s2, v0;
	v9 =	vshll.u32 v5, $0x6  }
0x113: {  	v13 =	vand.u32 $0xF, v25;
	v8 =	vor.u32 v9, v12  }
0x114: {  	v14 =	vor.u32 v9, v13  }
0x115: {  	s2 =	simm.s32 $0x2  }
0x116: {  	v16 =	vshll.u32 v12, $0x9;
	v11 =	vadd.s32 s2, v0;
	v23 =	vor.u32 $0x20, v12  }
0x117: {  	v7 =	vand.u32 v3, v5;
	v19 =	vshll.u32 v13, $0x9;
	v26 =	vand.u32 $0xF, v11  }
0x118: {  	v34 =	vor.u32 $0x20, v13;
	v15 =	vor.u32 $0x10, v9;
	v16 =	vor.u32 v7, v16;
	v18 =	vld.idx.msk [tilespmem:v8+s15+$0x0], $0xffff  }
0x119: {  	v36 =	vand.u32 $0x7, v11;
	v22 =	vor.u32 v7, v19;
	v20 =	vor.u32 v15, v17;
	v21 =	vld.idx.msk [tilespmem:v14+s15+$0x0], $0xffff  }
0x11a: {  	v10 =	vor.u32 $0x2000, v7;
	v12 =	vand.u32 $0x28, v23;
	v24 =	vor.u32 v15, v25  }
0x11b: {  	s2 =	simm.s32 $0x3;
	v28 =	vor.u32 v9, v26;
	v13 =	vand.u32 $0x28, v34;
	v14 =	vand.u32 $0x7, v17  }
0x11c: {  	v8 =	vshll.u32 v17, $0x9;
	v12 =	vor.u32 v12, v14;
	v14 =	vadd.s32 s2, v0  }
0x11d: {  	v30 =	vor.u32 v10, v8;
	v33 =	vor.u32 v9, v12;
	v19 =	vand.u32 $0xF, v14;
	[tilespmem:v16+s23+$0x0] =	vst.idx.msk $0xffff, v18  }
0x11e: {  	v12 =	vshll.u32 v25, $0x9;
	[tilespmem:v22+s23+$0x0] =	vst.idx.msk $0xffff, v21;
	v16 =	vand.u32 $0x7, v25;
	v21 =	vor.u32 v9, v19;
	v18 =	vld.idx.msk [tilespmem:v20+s15+$0x0], $0xffff  }
0x11f: {  	v6 =	vor.u32 $0x30, v9;
	v22 =	vor.u32 v10, v12;
	v13 =	vor.u32 v13, v16;
	v24 =	vld.idx.msk [tilespmem:v24+s15+$0x0], $0xffff  }
0x120: {  	v23 =	vshll.u32 v23, $0x9;
	v27 =	vor.u32 v15, v11;
	v35 =	vor.u32 v9, v13  }
0x121: {  	v17 =	vor.u32 v6, v17;
	v29 =	vshll.u32 v19, $0x9;
	v20 =	vshll.u32 v26, $0x9  }
0x122: {  	v31 =	vld.idx.msk [tilespmem:v28+s15+$0x0], $0xffff;
	s2 =	simm.s32 $0x4;
	v29 =	vor.u32 v7, v29;
	v25 =	vor.u32 v6, v25;
	v32 =	vor.u32 v7, v20  }
0x123: {  	v5 =	vor.u32 $0x6000, v7;
	v16 =	vadd.s32 s2, v0;
	v20 =	vor.u32 v7, v23;
	v28 =	vld.idx.msk [tilespmem:v21+s15+$0x0], $0xffff;
	[tilespmem:v30+s23+$0x0] =	vst.idx.msk $0xffff, v18  }
0x124: {  	v23 =	vshll.u32 v34, $0x9;
	v18 =	vor.u32 $0x20, v26;
	v30 =	vor.u32 v15, v14;
	[tilespmem:v22+s23+$0x0] =	vst.idx.msk $0xffff, v24;
	v21 =	vld.idx.msk [tilespmem:v33+s15+$0x0], $0xffff  }
0x125: {  	v13 =	vshll.u32 v11, $0x9;
	v23 =	vor.u32 v7, v23;
	v63 =	vand.u32 $0x28, v18;
	v22 =	vld.idx.msk [tilespmem:v35+s15+$0x0], $0xffff  }
0x126: {  	s0 =	simm.s32 $0x6;
	s2 =	simm.s32 $0x5;
	v24 =	vand.u32 $0xF, v16;
	v26 =	vor.u32 v10, v13;
	v33 =	vor.u32 v63, v36  }
.LBB2_15:
0x127: {  	p0 =	slt.u32 s0, $0xE;
	v34 =	vor.u32 v9, v24;
	v35 =	vadd.s32 s2, v0;
	[tilespmem:v32+s23+$0x0] =	vst.idx.msk $0xffff, v31;
	v33 =	vor.u32 v9, v33  }
0x128: {  	v37 =	vor.u32 $0x20, v19;
	v36 =	vld.idx.msk [tilespmem:v27+s15+$0x0], $0xffff;
	[tilespmem:v29+s23+$0x0] =	vst.idx.msk $0xffff, v28;
	v27 =	vshll.u32 v14, $0x9;
	v19 =	vand.u32 $0xF, v35  }
0x129: {  	v31 =	vand.u32 $0x7, v14;
	v29 =	vand.u32 $0x28, v37;
	v28 =	vor.u32 v9, v19;
	v30 =	vld.idx.msk [tilespmem:v30+s15+$0x0], $0xffff;
	[tilespmem:v20+s23+$0x0] =	vst.idx.msk $0xffff, v21  }
0x12a: {  	v38 =	vor.u32 v10, v27;
	v20 =	vor.u32 v29, v31;
	v39 =	vld.idx.msk [tilespmem:v17+s15+$0x0], $0xffff;
	[tilespmem:v23+s23+$0x0] =	vst.idx.msk $0xffff, v22  }
0x12b: {  	v21 =	vadd.s32 s0, v0;
	v22 =	vor.u32 v9, v20;
	v23 =	vor.u32 v5, v8;
	v8 =	vmovc v13;
	v25 =	vld.idx.msk [tilespmem:v25+s15+$0x0], $0xffff  }
0x12c: {  	v40 =	vor.u32 v5, v12;
	v12 =	vmovc v27;
	v13 =	vshll.u32 v16, $0x9;
	v17 =	vor.u32 v6, v11;
	v11 =	vmovc v16  }
0x12d: {  	v20 =	vshll.u32 v24, $0x9;
	v16 =	vmovc v21;
	v27 =	vor.u32 v15, v11;
	v31 =	vld.idx.msk [tilespmem:v34+s15+$0x0], $0xffff;
	v34 =	vand.u32 $0x7, v11  }
.Ltmp6:
0x12e: {  	v18 =	vshll.u32 v18, $0x9;
	v32 =	vor.u32 v7, v20;
	v20 =	vshll.u32 v19, $0x9;
	v28 =	vld.idx.msk [tilespmem:v28+s15+$0x0], $0xffff;
	[tilespmem:v26+s23+$0x0] =	vst.idx.msk $0xffff, v36;
	(pc) =	sbr.rel @p0 .LBB2_15-.Ltmp6, $4  }
0x12f: {  	v29 =	vor.u32 v7, v20;
	v20 =	vor.u32 v7, v18;
	v21 =	vld.idx.msk [tilespmem:v33+s15+$0x0], $0xffff;
	[tilespmem:v38+s23+$0x0] =	vst.idx.msk $0xffff, v30  }
0x130: {  	v18 =	vor.u32 $0x20, v24;
	v26 =	vshll.u32 v37, $0x9;
	v30 =	vor.u32 v15, v35;
	v22 =	vld.idx.msk [tilespmem:v22+s15+$0x0], $0xffff;
	[tilespmem:v23+s23+$0x0] =	vst.idx.msk $0xffff, v39  }
0x131: {  	v24 =	vand.u32 $0xF, v16;
	v33 =	vand.u32 $0x28, v18;
	v23 =	vor.u32 v7, v26;
	[tilespmem:v40+s23+$0x0] =	vst.idx.msk $0xffff, v25  }
0x132: {  	s2 =	sadd.s32 $0x1, s0;
	s0 =	sadd.s32 $0x2, s0;
	v26 =	vor.u32 v10, v13;
	v33 =	vor.u32 v33, v34;
	v25 =	vor.u32 v6, v14;
	v14 =	vmovc v35  }
0x133: {  	v34 =	vadd.s32 s2, v0  }
0x134: {  	v35 =	vor.u32 v9, v24;
	v36 =	vand.u32 $0xF, v34  }
0x135: {  	v37 =	vor.u32 v9, v36;
	_ =	sdelay $0x2  }
0x136: {  	v33 =	vor.u32 v9, v33;
	v19 =	vor.u32 $0x20, v19;
	v38 =	vshll.u32 v24, $0x9  }
0x137: {  	v39 =	vand.u32 $0x7, v14;
	v59 =	vor.u32 v7, v38;
	v60 =	vshll.u32 v36, $0x9;
	v58 =	vld.idx.msk [tilespmem:v35+s15+$0x0], $0xffff  }
0x138: {  	v40 =	vor.u32 v15, v16;
	v41 =	vshll.u32 v14, $0x9;
	v38 =	vor.u32 v7, v60;
	v37 =	vld.idx.msk [tilespmem:v37+s15+$0x0], $0xffff  }
0x139: {  	[tilespmem:v32+s23+$0x0] =	vst.idx.msk $0xffff, v31;
	v45 =	vor.u32 $0x20, v24;
	v46 =	vshll.u32 v16, $0x9;
	v61 =	vor.u32 v15, v34  }
0x13a: {  	[tilespmem:v29+s23+$0x0] =	vst.idx.msk $0xffff, v28;
	v47 =	vand.u32 $0x7, v16;
	v57 =	vand.u32 $0x28, v19;
	v27 =	vld.idx.msk [tilespmem:v27+s15+$0x0], $0xffff;
	v62 =	vor.u32 v10, v41  }
0x13b: {  	v30 =	vld.idx.msk [tilespmem:v30+s15+$0x0], $0xffff;
	v42 =	vand.u32 $0x28, v45;
	v48 =	vor.u32 v10, v46;
	v51 =	vshll.u32 v34, $0x9  }
0x13c: {  	v31 =	vor.u32 v57, v39;
	v49 =	vor.u32 v42, v47;
	v36 =	vor.u32 $0x20, v36;
	[tilespmem:v59+s23+$0x0] =	vst.idx.msk $0xffff, v58  }
0x13d: {  	v53 =	vand.u32 $0x7, v34;
	v63 =	vor.u32 v9, v31;
	v52 =	vand.u32 $0x28, v36;
	v50 =	vld.idx.msk [tilespmem:v40+s15+$0x0], $0xffff;
	[tilespmem:v38+s23+$0x0] =	vst.idx.msk $0xffff, v37  }
0x13e: {  	v54 =	vor.u32 v10, v51;
	v35 =	vor.u32 v9, v49;
	v38 =	vor.u32 v52, v53;
	v15 =	vld.idx.msk [tilespmem:v61+s15+$0x0], $0xffff  }
0x13f: {  	v55 =	vor.u32 v9, v38  }
0x140: {  	v18 =	vshll.u32 v18, $0x9;
	v11 =	vor.u32 v6, v11;
	[tilespmem:v26+s23+$0x0] =	vst.idx.msk $0xffff, v27  }
0x141: {  	v18 =	vor.u32 v7, v18;
	v19 =	vshll.u32 v19, $0x9;
	v24 =	vshll.u32 v45, $0x9;
	[tilespmem:v62+s23+$0x0] =	vst.idx.msk $0xffff, v30;
	v26 =	vld.idx.msk [tilespmem:v33+s15+$0x0], $0xffff  }
0x142: {  	v19 =	vor.u32 v7, v19;
	v57 =	vor.u32 v6, v14;
	v56 =	vld.idx.msk [tilespmem:v63+s15+$0x0], $0xffff;
	[tilespmem:v48+s23+$0x0] =	vst.idx.msk $0xffff, v50  }
0x143: {  	v24 =	vor.u32 v7, v24;
	v59 =	vshll.u32 v36, $0x9;
	v58 =	vld.idx.msk [tilespmem:v35+s15+$0x0], $0xffff;
	[tilespmem:v54+s23+$0x0] =	vst.idx.msk $0xffff, v15  }
0x144: {  	[tilespmem:v23+s23+$0x0] =	vst.idx.msk $0xffff, v22;
	v60 =	vor.u32 v6, v16;
	v7 =	vor.u32 v7, v59;
	v9 =	vld.idx.msk [tilespmem:v55+s15+$0x0], $0xffff  }
0x145: {  	v12 =	vor.u32 v5, v12;
	[tilespmem:v20+s23+$0x0] =	vst.idx.msk $0xffff, v21;
	v6 =	vor.u32 v6, v34;
	v62 =	vld.idx.msk [tilespmem:v25+s15+$0x0], $0xffff  }
0x146: {  	v8 =	vor.u32 v5, v8;
	[tilespmem:v18+s23+$0x0] =	vst.idx.msk $0xffff, v26;
	v61 =	vld.idx.msk [tilespmem:v17+s15+$0x0], $0xffff  }
0x147: {  	v13 =	vor.u32 v5, v13;
	v11 =	vld.idx.msk [tilespmem:v11+s15+$0x0], $0xffff;
	[tilespmem:v19+s23+$0x0] =	vst.idx.msk $0xffff, v56  }
0x148: {  	v63 =	vor.u32 v5, v41;
	v14 =	vld.idx.msk [tilespmem:v57+s15+$0x0], $0xffff;
	[tilespmem:v24+s23+$0x0] =	vst.idx.msk $0xffff, v58  }
0x149: {  	s31 =	sadd.s32 $0x1, s31;
	v15 =	vld.idx.msk [tilespmem:v60+s15+$0x0], $0xffff;
	[tilespmem:v7+s23+$0x0] =	vst.idx.msk $0xffff, v9;
	v7 =	vor.u32 v5, v46  }
0x14a: {  	p0 =	sne.s32 s31, $0x8;
	[tilespmem:v12+s23+$0x0] =	vst.idx.msk $0xffff, v62;
	v5 =	vor.u32 v5, v51;
	v6 =	vld.idx.msk [tilespmem:v6+s15+$0x0], $0xffff  }
.Ltmp7:
0x14b: {  	[tilespmem:v8+s23+$0x0] =	vst.idx.msk $0xffff, v61;
	(pc) =	sbr.rel @p0 .LBB2_14-.Ltmp7, $4  }
0x14c: {  	[tilespmem:v13+s23+$0x0] =	vst.idx.msk $0xffff, v11  }
0x14d: {  	[tilespmem:v63+s23+$0x0] =	vst.idx.msk $0xffff, v14  }
0x14e: {  	[tilespmem:v7+s23+$0x0] =	vst.idx.msk $0xffff, v15  }
0x14f: {  	[tilespmem:v5+s23+$0x0] =	vst.idx.msk $0xffff, v6  }
0x150: {  	s0 =	simm.s32 $0x800;
	s2 =	simm.s32 $0x8700;
	s30 =	sadd.s32 $0x0, s8  }
.LBB2_18:
0x151: {  	[hbm4b:s30+s3] =	stream.linear.scatter [tilespmem:s2], [sflag:$0x6], $0x80, $0x38;
	[tilespmem:$0x10600] =	vst v63  }
0x152: {  	s30 =	smov.u32 s0;
	p0 =	sne.s32 s0, $0x1F800  }
.Ltmp8:
0x153: {  	s0 =	sadd.s32 $0x800, s0;
	(pc) =	sbr.rel @p0 .LBB2_18-.Ltmp8, $3  }
0x154: {  	_ =	sdelay $0x1  }
0x155: {  	s2 =	sshra.s32 s30, $0x2  }
0x156: {  	s30 =	sadd.s32 s30, s8;
	s2 =	sadd.s32 $0x8700, s2  }
0x157: {  	[hbm4b:s30+s3] =	stream.linear.scatter [tilespmem:s2], [sflag:$0x6], $0x80, $0x38;
	[tilespmem:$0x10600] =	vst v63  }
0x158: {  	_ =	swait.ge [sflag:s26], $0x2000  }
0x159: {  	[sflag:s26] =	ssyncset.done $0x0  }
0x15a: {  	s30 =	simm.s32 $0x0;
	s31 =	simm.s32 $0x0;
	[sflag:s26] =	ssyncadd.s32 $0xFFFFE000  }
.LBB2_20:
0x15b: {  	s0 =	sshll.u32 s31, $0x4  }
0x15c: {  	s0 =	sadd.s32 $0x180, s0  }
0x15d: {  	v17 =	vadd.s32 s30, v0;
	s2 =	simm.s32 $0x1;
	v5 =	vor.u32 s0, v0  }
0x15e: {  	v12 =	vand.u32 $0xF, v17;
	v25 =	vadd.s32 s2, v0;
	v9 =	vshll.u32 v5, $0x6  }
0x15f: {  	v13 =	vand.u32 $0xF, v25;
	v8 =	vor.u32 v9, v12  }
0x160: {  	v14 =	vor.u32 v9, v13  }
0x161: {  	s2 =	simm.s32 $0x2  }
0x162: {  	v16 =	vshll.u32 v12, $0x9;
	v11 =	vadd.s32 s2, v0;
	v23 =	vor.u32 $0x20, v12  }
0x163: {  	v7 =	vand.u32 v4, v5;
	v19 =	vshll.u32 v13, $0x9;
	v26 =	vand.u32 $0xF, v11  }
0x164: {  	v34 =	vor.u32 $0x20, v13;
	v15 =	vor.u32 $0x10, v9;
	v16 =	vor.u32 v7, v16;
	v18 =	vld.idx.msk [tilespmem:v8+s15+$0x0], $0xffff  }
0x165: {  	v36 =	vand.u32 $0x7, v11;
	v22 =	vor.u32 v7, v19;
	v20 =	vor.u32 v15, v17;
	v21 =	vld.idx.msk [tilespmem:v14+s15+$0x0], $0xffff  }
0x166: {  	v10 =	vor.u32 $0x2000, v7;
	v12 =	vand.u32 $0x28, v23;
	v24 =	vor.u32 v15, v25  }
0x167: {  	s2 =	simm.s32 $0x3;
	v28 =	vor.u32 v9, v26;
	v13 =	vand.u32 $0x28, v34;
	v14 =	vand.u32 $0x7, v17  }
0x168: {  	v8 =	vshll.u32 v17, $0x9;
	v12 =	vor.u32 v12, v14;
	v14 =	vadd.s32 s2, v0  }
0x169: {  	v30 =	vor.u32 v10, v8;
	v33 =	vor.u32 v9, v12;
	v19 =	vand.u32 $0xF, v14;
	[tilespmem:v16+s23+$0x0] =	vst.idx.msk $0xffff, v18  }
0x16a: {  	v12 =	vshll.u32 v25, $0x9;
	[tilespmem:v22+s23+$0x0] =	vst.idx.msk $0xffff, v21;
	v16 =	vand.u32 $0x7, v25;
	v21 =	vor.u32 v9, v19;
	v18 =	vld.idx.msk [tilespmem:v20+s15+$0x0], $0xffff  }
0x16b: {  	v6 =	vor.u32 $0x30, v9;
	v22 =	vor.u32 v10, v12;
	v13 =	vor.u32 v13, v16;
	v24 =	vld.idx.msk [tilespmem:v24+s15+$0x0], $0xffff  }
0x16c: {  	v23 =	vshll.u32 v23, $0x9;
	v27 =	vor.u32 v15, v11;
	v35 =	vor.u32 v9, v13  }
0x16d: {  	v17 =	vor.u32 v6, v17;
	v29 =	vshll.u32 v19, $0x9;
	v20 =	vshll.u32 v26, $0x9  }
0x16e: {  	v31 =	vld.idx.msk [tilespmem:v28+s15+$0x0], $0xffff;
	s2 =	simm.s32 $0x4;
	v29 =	vor.u32 v7, v29;
	v25 =	vor.u32 v6, v25;
	v32 =	vor.u32 v7, v20  }
0x16f: {  	v5 =	vor.u32 $0x6000, v7;
	v16 =	vadd.s32 s2, v0;
	v20 =	vor.u32 v7, v23;
	v28 =	vld.idx.msk [tilespmem:v21+s15+$0x0], $0xffff;
	[tilespmem:v30+s23+$0x0] =	vst.idx.msk $0xffff, v18  }
0x170: {  	v23 =	vshll.u32 v34, $0x9;
	v18 =	vor.u32 $0x20, v26;
	v30 =	vor.u32 v15, v14;
	[tilespmem:v22+s23+$0x0] =	vst.idx.msk $0xffff, v24;
	v21 =	vld.idx.msk [tilespmem:v33+s15+$0x0], $0xffff  }
0x171: {  	v13 =	vshll.u32 v11, $0x9;
	v23 =	vor.u32 v7, v23;
	v63 =	vand.u32 $0x28, v18;
	v22 =	vld.idx.msk [tilespmem:v35+s15+$0x0], $0xffff  }
0x172: {  	s0 =	simm.s32 $0x6;
	s2 =	simm.s32 $0x5;
	v24 =	vand.u32 $0xF, v16;
	v26 =	vor.u32 v10, v13;
	v33 =	vor.u32 v63, v36  }
.LBB2_21:
0x173: {  	p0 =	slt.u32 s0, $0xE;
	v34 =	vor.u32 v9, v24;
	v35 =	vadd.s32 s2, v0;
	[tilespmem:v32+s23+$0x0] =	vst.idx.msk $0xffff, v31;
	v33 =	vor.u32 v9, v33  }
0x174: {  	v37 =	vor.u32 $0x20, v19;
	v36 =	vld.idx.msk [tilespmem:v27+s15+$0x0], $0xffff;
	[tilespmem:v29+s23+$0x0] =	vst.idx.msk $0xffff, v28;
	v27 =	vshll.u32 v14, $0x9;
	v19 =	vand.u32 $0xF, v35  }
0x175: {  	v31 =	vand.u32 $0x7, v14;
	v29 =	vand.u32 $0x28, v37;
	v28 =	vor.u32 v9, v19;
	v30 =	vld.idx.msk [tilespmem:v30+s15+$0x0], $0xffff;
	[tilespmem:v20+s23+$0x0] =	vst.idx.msk $0xffff, v21  }
0x176: {  	v38 =	vor.u32 v10, v27;
	v20 =	vor.u32 v29, v31;
	v39 =	vld.idx.msk [tilespmem:v17+s15+$0x0], $0xffff;
	[tilespmem:v23+s23+$0x0] =	vst.idx.msk $0xffff, v22  }
0x177: {  	v21 =	vadd.s32 s0, v0;
	v22 =	vor.u32 v9, v20;
	v23 =	vor.u32 v5, v8;
	v8 =	vmovc v13;
	v25 =	vld.idx.msk [tilespmem:v25+s15+$0x0], $0xffff  }
0x178: {  	v40 =	vor.u32 v5, v12;
	v12 =	vmovc v27;
	v13 =	vshll.u32 v16, $0x9;
	v17 =	vor.u32 v6, v11;
	v11 =	vmovc v16  }
0x179: {  	v20 =	vshll.u32 v24, $0x9;
	v16 =	vmovc v21;
	v27 =	vor.u32 v15, v11;
	v31 =	vld.idx.msk [tilespmem:v34+s15+$0x0], $0xffff;
	v34 =	vand.u32 $0x7, v11  }
.Ltmp9:
0x17a: {  	v18 =	vshll.u32 v18, $0x9;
	v32 =	vor.u32 v7, v20;
	v20 =	vshll.u32 v19, $0x9;
	v28 =	vld.idx.msk [tilespmem:v28+s15+$0x0], $0xffff;
	[tilespmem:v26+s23+$0x0] =	vst.idx.msk $0xffff, v36;
	(pc) =	sbr.rel @p0 .LBB2_21-.Ltmp9, $4  }
0x17b: {  	v29 =	vor.u32 v7, v20;
	v20 =	vor.u32 v7, v18;
	v21 =	vld.idx.msk [tilespmem:v33+s15+$0x0], $0xffff;
	[tilespmem:v38+s23+$0x0] =	vst.idx.msk $0xffff, v30  }
0x17c: {  	v18 =	vor.u32 $0x20, v24;
	v26 =	vshll.u32 v37, $0x9;
	v30 =	vor.u32 v15, v35;
	v22 =	vld.idx.msk [tilespmem:v22+s15+$0x0], $0xffff;
	[tilespmem:v23+s23+$0x0] =	vst.idx.msk $0xffff, v39  }
0x17d: {  	v24 =	vand.u32 $0xF, v16;
	v33 =	vand.u32 $0x28, v18;
	v23 =	vor.u32 v7, v26;
	[tilespmem:v40+s23+$0x0] =	vst.idx.msk $0xffff, v25  }
0x17e: {  	s2 =	sadd.s32 $0x1, s0;
	s0 =	sadd.s32 $0x2, s0;
	v26 =	vor.u32 v10, v13;
	v33 =	vor.u32 v33, v34;
	v25 =	vor.u32 v6, v14;
	v14 =	vmovc v35  }
0x17f: {  	v34 =	vadd.s32 s2, v0  }
0x180: {  	v35 =	vor.u32 v9, v24;
	v36 =	vand.u32 $0xF, v34  }
0x181: {  	v37 =	vor.u32 v9, v36;
	_ =	sdelay $0x2  }
0x182: {  	v33 =	vor.u32 v9, v33;
	v19 =	vor.u32 $0x20, v19;
	v38 =	vshll.u32 v24, $0x9  }
0x183: {  	v39 =	vand.u32 $0x7, v14;
	v59 =	vor.u32 v7, v38;
	v60 =	vshll.u32 v36, $0x9;
	v58 =	vld.idx.msk [tilespmem:v35+s15+$0x0], $0xffff  }
0x184: {  	v40 =	vor.u32 v15, v16;
	v41 =	vshll.u32 v14, $0x9;
	v38 =	vor.u32 v7, v60;
	v37 =	vld.idx.msk [tilespmem:v37+s15+$0x0], $0xffff  }
0x185: {  	[tilespmem:v32+s23+$0x0] =	vst.idx.msk $0xffff, v31;
	v45 =	vor.u32 $0x20, v24;
	v46 =	vshll.u32 v16, $0x9;
	v61 =	vor.u32 v15, v34  }
0x186: {  	[tilespmem:v29+s23+$0x0] =	vst.idx.msk $0xffff, v28;
	v47 =	vand.u32 $0x7, v16;
	v57 =	vand.u32 $0x28, v19;
	v27 =	vld.idx.msk [tilespmem:v27+s15+$0x0], $0xffff;
	v62 =	vor.u32 v10, v41  }
0x187: {  	v30 =	vld.idx.msk [tilespmem:v30+s15+$0x0], $0xffff;
	v42 =	vand.u32 $0x28, v45;
	v48 =	vor.u32 v10, v46;
	v51 =	vshll.u32 v34, $0x9  }
0x188: {  	v31 =	vor.u32 v57, v39;
	v49 =	vor.u32 v42, v47;
	v36 =	vor.u32 $0x20, v36;
	[tilespmem:v59+s23+$0x0] =	vst.idx.msk $0xffff, v58  }
0x189: {  	v53 =	vand.u32 $0x7, v34;
	v63 =	vor.u32 v9, v31;
	v52 =	vand.u32 $0x28, v36;
	v50 =	vld.idx.msk [tilespmem:v40+s15+$0x0], $0xffff;
	[tilespmem:v38+s23+$0x0] =	vst.idx.msk $0xffff, v37  }
0x18a: {  	v54 =	vor.u32 v10, v51;
	v35 =	vor.u32 v9, v49;
	v38 =	vor.u32 v52, v53;
	v15 =	vld.idx.msk [tilespmem:v61+s15+$0x0], $0xffff  }
0x18b: {  	v55 =	vor.u32 v9, v38  }
0x18c: {  	v18 =	vshll.u32 v18, $0x9;
	v11 =	vor.u32 v6, v11;
	[tilespmem:v26+s23+$0x0] =	vst.idx.msk $0xffff, v27  }
0x18d: {  	v18 =	vor.u32 v7, v18;
	v19 =	vshll.u32 v19, $0x9;
	v24 =	vshll.u32 v45, $0x9;
	[tilespmem:v62+s23+$0x0] =	vst.idx.msk $0xffff, v30;
	v26 =	vld.idx.msk [tilespmem:v33+s15+$0x0], $0xffff  }
0x18e: {  	v19 =	vor.u32 v7, v19;
	v57 =	vor.u32 v6, v14;
	v56 =	vld.idx.msk [tilespmem:v63+s15+$0x0], $0xffff;
	[tilespmem:v48+s23+$0x0] =	vst.idx.msk $0xffff, v50  }
0x18f: {  	v24 =	vor.u32 v7, v24;
	v59 =	vshll.u32 v36, $0x9;
	v58 =	vld.idx.msk [tilespmem:v35+s15+$0x0], $0xffff;
	[tilespmem:v54+s23+$0x0] =	vst.idx.msk $0xffff, v15  }
0x190: {  	[tilespmem:v23+s23+$0x0] =	vst.idx.msk $0xffff, v22;
	v60 =	vor.u32 v6, v16;
	v7 =	vor.u32 v7, v59;
	v9 =	vld.idx.msk [tilespmem:v55+s15+$0x0], $0xffff  }
0x191: {  	v12 =	vor.u32 v5, v12;
	[tilespmem:v20+s23+$0x0] =	vst.idx.msk $0xffff, v21;
	v6 =	vor.u32 v6, v34;
	v62 =	vld.idx.msk [tilespmem:v25+s15+$0x0], $0xffff  }
0x192: {  	v8 =	vor.u32 v5, v8;
	[tilespmem:v18+s23+$0x0] =	vst.idx.msk $0xffff, v26;
	v61 =	vld.idx.msk [tilespmem:v17+s15+$0x0], $0xffff  }
0x193: {  	v13 =	vor.u32 v5, v13;
	v11 =	vld.idx.msk [tilespmem:v11+s15+$0x0], $0xffff;
	[tilespmem:v19+s23+$0x0] =	vst.idx.msk $0xffff, v56  }
0x194: {  	v63 =	vor.u32 v5, v41;
	v14 =	vld.idx.msk [tilespmem:v57+s15+$0x0], $0xffff;
	[tilespmem:v24+s23+$0x0] =	vst.idx.msk $0xffff, v58  }
0x195: {  	s31 =	sadd.s32 $0x1, s31;
	v15 =	vld.idx.msk [tilespmem:v60+s15+$0x0], $0xffff;
	[tilespmem:v7+s23+$0x0] =	vst.idx.msk $0xffff, v9;
	v7 =	vor.u32 v5, v46  }
0x196: {  	p0 =	sne.s32 s31, $0x8;
	[tilespmem:v12+s23+$0x0] =	vst.idx.msk $0xffff, v62;
	v5 =	vor.u32 v5, v51;
	v6 =	vld.idx.msk [tilespmem:v6+s15+$0x0], $0xffff  }
.Ltmp10:
0x197: {  	[tilespmem:v8+s23+$0x0] =	vst.idx.msk $0xffff, v61;
	(pc) =	sbr.rel @p0 .LBB2_20-.Ltmp10, $4  }
0x198: {  	[tilespmem:v13+s23+$0x0] =	vst.idx.msk $0xffff, v11  }
0x199: {  	[tilespmem:v63+s23+$0x0] =	vst.idx.msk $0xffff, v14  }
0x19a: {  	[tilespmem:v7+s23+$0x0] =	vst.idx.msk $0xffff, v15  }
0x19b: {  	[tilespmem:v5+s23+$0x0] =	vst.idx.msk $0xffff, v6  }
0x19c: {  	s0 =	simm.s32 $0x800;
	s2 =	simm.s32 $0x8780;
	s30 =	sadd.s32 $0x0, s9  }
.LBB2_24:
0x19d: {  	[hbm4b:s30+s3] =	stream.linear.scatter [tilespmem:s2], [sflag:$0x6], $0x80, $0x38;
	[tilespmem:$0x10600] =	vst v63  }
0x19e: {  	s30 =	smov.u32 s0;
	p0 =	sne.s32 s0, $0x1F800  }
.Ltmp11:
0x19f: {  	s0 =	sadd.s32 $0x800, s0;
	(pc) =	sbr.rel @p0 .LBB2_24-.Ltmp11, $3  }
0x1a0: {  	_ =	sdelay $0x1  }
0x1a1: {  	s2 =	sshra.s32 s30, $0x2  }
0x1a2: {  	s30 =	sadd.s32 s30, s9;
	s2 =	sadd.s32 $0x8780, s2  }
0x1a3: {  	[hbm4b:s30+s3] =	stream.linear.scatter [tilespmem:s2], [sflag:$0x6], $0x80, $0x38;
	[tilespmem:$0x10600] =	vst v63  }
0x1a4: {  	_ =	swait.ge [sflag:s28], $0x2000  }
0x1a5: {  	[sflag:s28] =	ssyncset.done $0x0  }
0x1a6: {  	[sflag:s28] =	ssyncadd.s32 $0xFFFFE000  }
0x1a7: {  	_ =	swait.ge [sflag:s28], $0x2000  }
0x1a8: {  	[sflag:s28] =	ssyncset.done $0x0  }
0x1a9: {  	s29 =	sadd.s32 $0x1, s29;
	[sflag:s28] =	ssyncadd.s32 $0xFFFFE000  }
0x1aa: {  	p0 =	sne.s32 s29, s10;
	_ =	swait.ge [sflag:s28], $0x2000  }
.Ltmp12:
0x1ab: {  	[sflag:s28] =	ssyncset.done $0x0;
	(pc) =	sbr.rel @p0 .LBB2_1-.Ltmp12, $4  }
0x1ac: {  	[sflag:s28] =	ssyncadd.s32 $0xFFFFE000  }
0x1ad: {  	_ =	swait.ge [sflag:s28], $0x2000  }
0x1ae: {  	[sflag:s28] =	ssyncset.done $0x0  }
0x1af: {  	[sflag:s28] =	ssyncadd.s32 $0xFFFFE000  }
0x1b0: {  	_ =	sfence.sel $0x180000  }
0x1b1: {  	[bflag:$0x0] =	sbarrier.arrive $0xFFFF  }
0x1b2: {  	_ =	strace $0x90000047  }
0x1b3: {  	s0 =	stileid.u32;
	[bflag:$0x2] =	sbarrier.arrive $0xFFFF  }
0x1b4: {  	p0 =	sne.s32 s0, $0x0;
	s0 =	rddreg [dreg:$0x4]  }
0x1b5: {  	s0 =	sadd.s32 @!p0 $0x100000, s0  }
0x1b6: {  	[sflag:s0] =	ssyncadd.tile.s32 @!p0 $0x1;
	_ =	shalt  }
.Lfunc_end2:
_tile_overlayer_lowered:
.L_overlay_start_2:
0x1b7: {  	(tag) =	ssettag $0x2  }
0x1b8: {  	s0 =	rddreg [dreg:$0x0];
	s2 =	stileid.u32  }
0x1b9: {  	s1 =	rddreg [dreg:$0x1];
	p0 =	sne.s32 s2, $0x0  }
0x1ba: {  	s3 =	rddreg [dreg:$0x2];
	[bflag:$0x3] =	sbarrier.arrive $0xFFFF;
	s2 =	simm.s32 @!p0 $0x1C07  }
0x1bb: {  	[timem:s3], [sflag:s2] =	dma.local @!p0 [hbm:s0], s1  }
0x1bc: {  	s0 =	simm.s32 @!p0 $0x7  }
0x1bd: {  	_ =	swait.ge @!p0 [sflag:s0], s1  }
0x1be: {  	s1 =	ssub.s32 @!p0 $0x0, s1;
	[sflag:s0] =	ssyncset.done @!p0 $0x0  }
0x1bf: {  	[sflag:s0] =	ssyncadd.s32 @!p0 s1  }
0x1c0: {  	[bflag:$0x3] =	sbarrier.arrive $0xFFFF  }
0x1c1: {  	_ =	shalt  }

</sc_bundles>
